<compile_context>
chip_gen: v7x
topology: tpu7x:2x2x1
jax: 0.10.2.dev20260603
libtpu: 0.0.44.dev20260713+nightly
codegen_flags: <defaults>
</compile_context>

<pallas_src>
import functools

import jax
import jax.numpy as jnp
from jax import lax
from jax.experimental import pallas as pl
from jax.experimental.pallas import tpu as pltpu
from jax.experimental.pallas import tpu_sc as plsc

NC = 2
NS = 16
NW = NC * NS


DEG_NBUF = 6


def _deg_body(nsc, per_sc, chunk, n_chunks, n_extra, col_hbm, ones_hbm,
              z_hbm, deg_out, ones_v, cidxs, xidx_v, deg_sh, isems, ssems,
              xssem):
    c = lax.axis_index("c")
    s = lax.axis_index("s")
    base = c * per_sc + (s * n_chunks + jnp.minimum(s, n_extra)) * chunk
    rpt = nsc // NS
    rounds = n_chunks // DEG_NBUF

    pltpu.sync_copy(ones_hbm, ones_v)
    pltpu.sync_copy(z_hbm.at[pl.ds(s * rpt, rpt)],
                    deg_sh.at[pl.ds(s * rpt, rpt)])
    plsc.subcore_barrier()

    def issue(j, b):
        off = base + (j * DEG_NBUF + b) * chunk
        pltpu.async_copy(col_hbm.at[pl.ds(off, chunk)], cidxs[b], isems[b])

    def fire(b):
        pltpu.make_async_copy(col_hbm.at[pl.ds(0, chunk)], cidxs[b],
                              isems[b]).wait()
        pltpu.async_copy(ones_v, deg_sh.at[cidxs[b]], ssems[b], add=True)

    def wait_scatter(b):
        pltpu.make_async_copy(col_hbm.at[pl.ds(0, chunk)], cidxs[b],
                              ssems[b]).wait()

    for b in range(DEG_NBUF):
        issue(0, b)

    def body(j, carry):
        for b in range(DEG_NBUF):
            fire(b)
        for b in range(DEG_NBUF):
            wait_scatter(b)
            issue(j + 1, b)
        return carry

    lax.fori_loop(0, rounds - 1, body, 0, unroll=False)
    for b in range(DEG_NBUF):
        fire(b)
    for b in range(DEG_NBUF):
        wait_scatter(b)
    for t in range(n_chunks - rounds * DEG_NBUF):
        issue(rounds, t)
        fire(t)
        wait_scatter(t)

    @pl.when(s < n_extra)
    def _extra():
        off = base + n_chunks * chunk
        pltpu.sync_copy(col_hbm.at[pl.ds(off, chunk)], xidx_v)
        pltpu.async_copy(ones_v, deg_sh.at[xidx_v], xssem, add=True)
        pltpu.make_async_copy(col_hbm.at[pl.ds(0, chunk)], xidx_v,
                              xssem).wait()

    plsc.subcore_barrier()

    pltpu.sync_copy(deg_sh.at[pl.ds(s * rpt, rpt)],
                    deg_out.at[pl.ds(c * nsc + s * rpt, rpt)])


NBUF = 3


def _agg_body(nsc, d, per_sc, chunk, n_chunks, n_extra, row_hbm, col_hbm,
              hp_hbm, z_hbm, s_out, ridx_v, cidxs, rowbufs, acc_sh, isems,
              gsems, ssems):
    c = lax.axis_index("c")
    s = lax.axis_index("s")
    base = c * per_sc + (s * n_chunks + jnp.minimum(s, n_extra)) * chunk
    my_chunks = n_chunks
    rows_per_tile = nsc // NS
    rounds = n_chunks // NBUF

    pltpu.sync_copy(z_hbm.at[pl.ds(s * rows_per_tile, rows_per_tile)],
                    acc_sh.at[pl.ds(s * rows_per_tile, rows_per_tile)])
    pltpu.sync_copy(row_hbm.at[pl.ds(base, n_chunks * chunk)], ridx_v)
    plsc.subcore_barrier()

    def issue(k, b):
        off = k * chunk
        pltpu.async_copy(col_hbm.at[pl.ds(base + off, chunk)], cidxs[b],
                         isems[b])
        pltpu.async_copy(hp_hbm.at[ridx_v.at[pl.ds(off, chunk)]], rowbufs[b],
                         gsems[b])

    def wait_gather(b):
        pltpu.make_async_copy(hp_hbm.at[pl.ds(0, chunk)], rowbufs[b],
                              gsems[b]).wait()

    def wait_idx(b):
        pltpu.make_async_copy(col_hbm.at[pl.ds(0, chunk)], cidxs[b],
                              isems[b]).wait()

    def wait_scatter(b):
        pltpu.make_async_copy(hp_hbm.at[pl.ds(0, chunk)], rowbufs[b],
                              ssems[b]).wait()

    def fire(b):
        wait_gather(b)
        wait_idx(b)
        pltpu.async_copy(rowbufs[b], acc_sh.at[cidxs[b]], ssems[b], add=True)

    for b in range(NBUF):
        issue(b, b)

    def body(j, carry):
        for b in range(NBUF):
            fire(b)
        for b in range(NBUF):
            wait_scatter(b)
            issue((j + 1) * NBUF + b, b)
        return carry

    lax.fori_loop(0, rounds - 1, body, 0, unroll=False)
    for b in range(NBUF):
        fire(b)
    for b in range(NBUF):
        wait_scatter(b)
    for t in range(my_chunks - rounds * NBUF):
        issue(rounds * NBUF + t, t)
        fire(t)
        wait_scatter(t)

    @pl.when(s < n_extra)
    def _extra():
        off = base + n_chunks * chunk
        pltpu.async_copy(col_hbm.at[pl.ds(off, chunk)], cidxs[0], isems[0])
        pltpu.sync_copy(row_hbm.at[pl.ds(off, chunk)],
                        ridx_v.at[pl.ds(0, chunk)])
        pltpu.async_copy(hp_hbm.at[ridx_v.at[pl.ds(0, chunk)]], rowbufs[0],
                         gsems[0])
        fire(0)
        wait_scatter(0)

    plsc.subcore_barrier()

    pltpu.sync_copy(acc_sh.at[pl.ds(s * rows_per_tile, rows_per_tile)],
                    s_out.at[c, pl.ds(s * rows_per_tile, rows_per_tile)])


def _tc_scale_body(x_ref, w_ref, degp_ref, hp_ref, dis_ref):
    deg = degp_ref[0, :, 0:1] + degp_ref[1, :, 0:1] + 1.0
    dis = lax.rsqrt(deg)
    h = jnp.dot(x_ref[...], w_ref[...], preferred_element_type=jnp.float32)
    hp_ref[...] = dis * h
    dis_ref[...] = dis


def _tc_combine_body(sp_ref, hp_ref, dis_ref, b_ref, o_ref):
    t = sp_ref[0] + sp_ref[1] + hp_ref[...]
    o_ref[...] = jnp.maximum(dis_ref[...] * t + b_ref[...], 0.0)


def kernel(x, edge_index, W, b):
    n, d_in = x.shape
    d_out = W.shape[1]
    e = edge_index.shape[1]
    assert e % NC == 0
    per_sc = e // NC
    chunk = 128
    assert per_sc % chunk == 0
    chunks_per_sc = per_sc // chunk
    n_chunks = chunks_per_sc // NS
    n_extra = chunks_per_sc % NS
    np_ = ((n + 16 * NS - 1) // (16 * NS)) * (16 * NS)

    row = edge_index[0]
    col = edge_index[1]
    xp = jnp.pad(x, ((0, np_ - n), (0, 0)))
    ones1 = jnp.ones((chunk,), jnp.float32)
    z1 = jnp.zeros((np_,), jnp.float32)
    zfull = jnp.zeros((np_, d_out), jnp.float32)

    mesh = plsc.VectorSubcoreMesh(core_axis_name="c", subcore_axis_name="s")

    degp = pl.kernel(
        functools.partial(_deg_body, np_, per_sc, chunk, n_chunks, n_extra),
        out_type=jax.ShapeDtypeStruct((NC * np_,), jnp.float32),
        mesh=mesh,
        scratch_types=[
            pltpu.VMEM((chunk,), jnp.float32),
            [pltpu.VMEM((chunk,), jnp.int32) for _ in range(DEG_NBUF)],
            pltpu.VMEM((chunk,), jnp.int32),
            pltpu.VMEM_SHARED((np_,), jnp.float32),
            [pltpu.SemaphoreType.DMA for _ in range(DEG_NBUF)],
            [pltpu.SemaphoreType.DMA for _ in range(DEG_NBUF)],
            pltpu.SemaphoreType.DMA,
        ],
    )(col, ones1, z1)

    hp, dis = pl.pallas_call(
        _tc_scale_body,
        out_shape=[
            jax.ShapeDtypeStruct((np_, d_out), jnp.float32),
            jax.ShapeDtypeStruct((np_, 1), jnp.float32),
        ],
    )(xp, W, degp.reshape(NC, np_, 1))

    cchunk = 80
    assert per_sc % (cchunk * NS) == 0
    cn_chunks = per_sc // cchunk // NS
    sp = pl.kernel(
        functools.partial(_agg_body, np_, d_out, per_sc, cchunk, cn_chunks,
                          0),
        out_type=jax.ShapeDtypeStruct((NC, np_, d_out), jnp.float32),
        mesh=mesh,
        scratch_types=[
            pltpu.VMEM((cn_chunks * cchunk,), jnp.int32),
            [pltpu.VMEM((cchunk,), jnp.int32) for _ in range(NBUF)],
            [pltpu.VMEM((cchunk, d_out), jnp.float32) for _ in range(NBUF)],
            pltpu.VMEM_SHARED((np_, d_out), jnp.float32),
            [pltpu.SemaphoreType.DMA for _ in range(NBUF)],
            [pltpu.SemaphoreType.DMA for _ in range(NBUF)],
            [pltpu.SemaphoreType.DMA for _ in range(NBUF)],
        ],
    )(row, col, hp, zfull)

    grid_d = 10
    blk = n // grid_d
    out = pl.pallas_call(
        _tc_combine_body,
        grid=(grid_d,),
        in_specs=[
            pl.BlockSpec((NC, blk, d_out), lambda i: (0, i, 0)),
            pl.BlockSpec((blk, d_out), lambda i: (i, 0)),
            pl.BlockSpec((blk, 1), lambda i: (i, 0)),
            pl.BlockSpec((1, d_out), lambda i: (0, 0)),
        ],
        out_specs=pl.BlockSpec((blk, d_out), lambda i: (i, 0)),
        out_shape=jax.ShapeDtypeStruct((n, d_out), jnp.float32),
    )(sp, hp, dis, b.reshape(1, d_out))
    return out

# --- scband reference (transcript-rebuilt; emitter-appended) ---
"""Pipeline reference for scband-gcn-10282151706735 (READ-ONLY COPY).

The authoritative reference and input builder live on the scoring server;
editing this copy changes nothing except your own understanding.
"""

import jax, jax.numpy as jnp
import numpy as np

N = 10000
E = 320000
D_IN = 128
D_OUT = 128


def setup_inputs(seed: int = 0) -> dict:
    key = jax.random.key(seed)
    k1, k2, k3 = jax.random.split(key, 3)
    x = jax.random.normal(k1, (N, D_IN), dtype=jnp.float32)
    edge_index = jax.random.randint(k2, (2, E), 0, N, dtype=jnp.int32)
    # GCNConv learned params: weight [D_IN, D_OUT] (glorot-ish) and bias [D_OUT]
    W = jax.random.normal(k3, (D_IN, D_OUT), dtype=jnp.float32) * (1.0 / np.sqrt(D_IN))
    b = jnp.zeros((D_OUT,), dtype=jnp.float32)
    return {"x": x, "edge_index": edge_index, "W": W, "b": b}


def reference(x, edge_index, W, b):
    # GCNConv: add self-loops, symmetric normalization D^{-1/2}(A+I)D^{-1/2} X W + b
    n = x.shape[0]
    loops = jnp.arange(n, dtype=edge_index.dtype)
    row = jnp.concatenate([edge_index[0], loops])  # source nodes
    col = jnp.concatenate([edge_index[1], loops])  # destination nodes
    deg = jax.ops.segment_sum(jnp.ones_like(col, dtype=x.dtype), col, num_segments=n)
    deg_inv_sqrt = jnp.where(deg > 0, jax.lax.rsqrt(jnp.maximum(deg, 1e-12)), 0.0)
    norm = deg_inv_sqrt[row] * deg_inv_sqrt[col]
    h = x @ W
    msg = jnp.take(h, row, axis=0) * norm[:, None]
    agg = jax.ops.segment_sum(msg, col, num_segments=n)
    out = agg + b
    # F.relu
    out = jax.nn.relu(out)
    # F.dropout omitted (eval-mode / deterministic reference)
    return out

if __name__ == "__main__":
    import jax
    _d = setup_inputs()
    print(jax.jit(kernel)(*tuple(_d.values())))

</pallas_src>

<mosaic_0001>
#map = affine_map<(d0, d1) -> (0)>
module attributes {stable_mosaic.version = 14 : i64} {
  func.func @_deg_body(%arg0: i32, %arg1: i32, %arg2: memref<320000xi32, #tpu.memory_space<hbm>>, %arg3: memref<128xf32, #tpu.memory_space<hbm>>, %arg4: memref<10240xf32, #tpu.memory_space<hbm>>, %arg5: memref<20480xf32, #tpu.memory_space<hbm>>, %arg6: memref<128xf32, #tpu.memory_space<vmem>>, %arg7: memref<128xi32, #tpu.memory_space<vmem>>, %arg8: memref<128xi32, #tpu.memory_space<vmem>>, %arg9: memref<128xi32, #tpu.memory_space<vmem>>, %arg10: memref<128xi32, #tpu.memory_space<vmem>>, %arg11: memref<128xi32, #tpu.memory_space<vmem>>, %arg12: memref<128xi32, #tpu.memory_space<vmem>>, %arg13: memref<128xi32, #tpu.memory_space<vmem>>, %arg14: memref<10240xf32, #tpu.memory_space<vmem_shared>>, %arg15: memref<!tpu.dma_semaphore, #tpu.memory_space<semaphore_mem>>, %arg16: memref<!tpu.dma_semaphore, #tpu.memory_space<semaphore_mem>>, %arg17: memref<!tpu.dma_semaphore, #tpu.memory_space<semaphore_mem>>, %arg18: memref<!tpu.dma_semaphore, #tpu.memory_space<semaphore_mem>>, %arg19: memref<!tpu.dma_semaphore, #tpu.memory_space<semaphore_mem>>, %arg20: memref<!tpu.dma_semaphore, #tpu.memory_space<semaphore_mem>>, %arg21: memref<!tpu.dma_semaphore, #tpu.memory_space<semaphore_mem>>, %arg22: memref<!tpu.dma_semaphore, #tpu.memory_space<semaphore_mem>>, %arg23: memref<!tpu.dma_semaphore, #tpu.memory_space<semaphore_mem>>, %arg24: memref<!tpu.dma_semaphore, #tpu.memory_space<semaphore_mem>>, %arg25: memref<!tpu.dma_semaphore, #tpu.memory_space<semaphore_mem>>, %arg26: memref<!tpu.dma_semaphore, #tpu.memory_space<semaphore_mem>>, %arg27: memref<!tpu.dma_semaphore, #tpu.memory_space<semaphore_mem>>) attributes {dimension_semantics = [#tpu.dimension_semantics<core_parallel>, #tpu.dimension_semantics<subcore_parallel>], iteration_bounds = array<i64: 2, 16>, scalar_prefetch = 0 : i64, scratch_operands = 22 : i64, tpu.core_type = #tpu.core_type<sc_vector_subcore>, window_params = [{transform_indices = #map}, {transform_indices = #map}, {transform_indices = #map}, {transform_indices = #map}]} {
    %mul3A = arith.constant 160000 : i32
    %mul3A_0 = arith.muli %arg0, %mul3A : i32
    %mul3A_1 = arith.constant 78 : i32
    %mul3A_2 = arith.muli %arg1, %mul3A_1 : i32
    %min3A = arith.constant 2 : i32
    %min3A_3 = arith.minsi %arg1, %min3A : i32
    %add3A = arith.addi %mul3A_2, %min3A_3 : i32
    %mul3A_4 = arith.constant 128 : i32
    %mul3A_5 = arith.muli %add3A, %mul3A_4 : i32
    %add3A_6 = arith.addi %mul3A_0, %mul3A_5 : i32
    "tpu.region"() ({
      %run_scoped3A = tpu.sem_alloc : memref<!tpu.dma_semaphore, #tpu.memory_space<semaphore_mem>>
      tpu.enqueue_dma source(%arg3 : memref<128xf32, #tpu.memory_space<hbm>>) target(%arg6 : memref<128xf32, #tpu.memory_space<vmem>>) target_semaphore(%run_scoped3A : memref<!tpu.dma_semaphore, #tpu.memory_space<semaphore_mem>>)
      tpu.wait_dma2 semaphore(%run_scoped3A : memref<!tpu.dma_semaphore, #tpu.memory_space<semaphore_mem>>) src(%arg3 : memref<128xf32, #tpu.memory_space<hbm>>) dst(%arg6 : memref<128xf32, #tpu.memory_space<vmem>>)
      tpu.yield
    }) : () -> ()
    %mul3A_7 = arith.constant 640 : i32
    %mul3A_8 = arith.muli %arg1, %mul3A_7 : i32
    %mul3A_9 = arith.constant 640 : i32
    %mul3A_10 = arith.muli %arg1, %mul3A_9 : i32
    "tpu.region"() ({
      %run_scoped3A = tpu.sem_alloc : memref<!tpu.dma_semaphore, #tpu.memory_space<semaphore_mem>>
      %dma_start3A_108 = tpu.memref_slice %arg14[%mul3A_10] : memref<10240xf32, #tpu.memory_space<vmem_shared>> -> memref<640xf32, #tpu.memory_space<vmem_shared>>
      %dma_start3A_109 = tpu.memref_slice %arg4[%mul3A_8] : memref<10240xf32, #tpu.memory_space<hbm>> -> memref<640xf32, #tpu.memory_space<hbm>>
      tpu.enqueue_dma source(%dma_start3A_109 : memref<640xf32, #tpu.memory_space<hbm>>) target(%dma_start3A_108 : memref<640xf32, #tpu.memory_space<vmem_shared>>) target_semaphore(%run_scoped3A : memref<!tpu.dma_semaphore, #tpu.memory_space<semaphore_mem>>)
      %dma_wait3A_110 = tpu.memref_slice %arg14[%mul3A_10] : memref<10240xf32, #tpu.memory_space<vmem_shared>> -> memref<640xf32, #tpu.memory_space<vmem_shared>>
      %dma_wait3A_111 = tpu.memref_slice %arg4[%mul3A_8] : memref<10240xf32, #tpu.memory_space<hbm>> -> memref<640xf32, #tpu.memory_space<hbm>>
      tpu.wait_dma2 semaphore(%run_scoped3A : memref<!tpu.dma_semaphore, #tpu.memory_space<semaphore_mem>>) src(%dma_wait3A_111 : memref<640xf32, #tpu.memory_space<hbm>>) dst(%dma_wait3A_110 : memref<640xf32, #tpu.memory_space<vmem_shared>>)
      tpu.yield
    }) : () -> ()
    %barrier3A = arith.constant 0 : index
    tpu.barrier barrier_id(%barrier3A)
    %add3A_11 = arith.constant 0 : i32
    %add3A_12 = arith.addi %add3A_6, %add3A_11 : i32
    %dma_start3A = tpu.memref_slice %arg2[%add3A_12] : memref<320000xi32, #tpu.memory_space<hbm>> -> memref<128xi32, #tpu.memory_space<hbm>>
    %dma_start3A_13 = tpu.memref_slice %arg2[%add3A_12] : memref<320000xi32, #tpu.memory_space<hbm>> -> memref<128xi32, #tpu.memory_space<hbm>>
    tpu.enqueue_dma source(%dma_start3A_13 : memref<128xi32, #tpu.memory_space<hbm>>) target(%arg7 : memref<128xi32, #tpu.memory_space<vmem>>) target_semaphore(%arg15 : memref<!tpu.dma_semaphore, #tpu.memory_space<semaphore_mem>>)
    %add3A_14 = arith.constant 128 : i32
    %add3A_15 = arith.addi %add3A_6, %add3A_14 : i32
    %dma_start3A_16 = tpu.memref_slice %arg2[%add3A_15] : memref<320000xi32, #tpu.memory_space<hbm>> -> memref<128xi32, #tpu.memory_space<hbm>>
    %dma_start3A_17 = tpu.memref_slice %arg2[%add3A_15] : memref<320000xi32, #tpu.memory_space<hbm>> -> memref<128xi32, #tpu.memory_space<hbm>>
    tpu.enqueue_dma source(%dma_start3A_17 : memref<128xi32, #tpu.memory_space<hbm>>) target(%arg8 : memref<128xi32, #tpu.memory_space<vmem>>) target_semaphore(%arg16 : memref<!tpu.dma_semaphore, #tpu.memory_space<semaphore_mem>>)
    %add3A_18 = arith.constant 256 : i32
    %add3A_19 = arith.addi %add3A_6, %add3A_18 : i32
    %dma_start3A_20 = tpu.memref_slice %arg2[%add3A_19] : memref<320000xi32, #tpu.memory_space<hbm>> -> memref<128xi32, #tpu.memory_space<hbm>>
    %dma_start3A_21 = tpu.memref_slice %arg2[%add3A_19] : memref<320000xi32, #tpu.memory_space<hbm>> -> memref<128xi32, #tpu.memory_space<hbm>>
    tpu.enqueue_dma source(%dma_start3A_21 : memref<128xi32, #tpu.memory_space<hbm>>) target(%arg9 : memref<128xi32, #tpu.memory_space<vmem>>) target_semaphore(%arg17 : memref<!tpu.dma_semaphore, #tpu.memory_space<semaphore_mem>>)
    %add3A_22 = arith.constant 384 : i32
    %add3A_23 = arith.addi %add3A_6, %add3A_22 : i32
    %dma_start3A_24 = tpu.memref_slice %arg2[%add3A_23] : memref<320000xi32, #tpu.memory_space<hbm>> -> memref<128xi32, #tpu.memory_space<hbm>>
    %dma_start3A_25 = tpu.memref_slice %arg2[%add3A_23] : memref<320000xi32, #tpu.memory_space<hbm>> -> memref<128xi32, #tpu.memory_space<hbm>>
    tpu.enqueue_dma source(%dma_start3A_25 : memref<128xi32, #tpu.memory_space<hbm>>) target(%arg10 : memref<128xi32, #tpu.memory_space<vmem>>) target_semaphore(%arg18 : memref<!tpu.dma_semaphore, #tpu.memory_space<semaphore_mem>>)
    %add3A_26 = arith.constant 512 : i32
    %add3A_27 = arith.addi %add3A_6, %add3A_26 : i32
    %dma_start3A_28 = tpu.memref_slice %arg2[%add3A_27] : memref<320000xi32, #tpu.memory_space<hbm>> -> memref<128xi32, #tpu.memory_space<hbm>>
    %dma_start3A_29 = tpu.memref_slice %arg2[%add3A_27] : memref<320000xi32, #tpu.memory_space<hbm>> -> memref<128xi32, #tpu.memory_space<hbm>>
    tpu.enqueue_dma source(%dma_start3A_29 : memref<128xi32, #tpu.memory_space<hbm>>) target(%arg11 : memref<128xi32, #tpu.memory_space<vmem>>) target_semaphore(%arg19 : memref<!tpu.dma_semaphore, #tpu.memory_space<semaphore_mem>>)
    %add3A_30 = arith.constant 640 : i32
    %add3A_31 = arith.addi %add3A_6, %add3A_30 : i32
    %dma_start3A_32 = tpu.memref_slice %arg2[%add3A_31] : memref<320000xi32, #tpu.memory_space<hbm>> -> memref<128xi32, #tpu.memory_space<hbm>>
    %dma_start3A_33 = tpu.memref_slice %arg2[%add3A_31] : memref<320000xi32, #tpu.memory_space<hbm>> -> memref<128xi32, #tpu.memory_space<hbm>>
    tpu.enqueue_dma source(%dma_start3A_33 : memref<128xi32, #tpu.memory_space<hbm>>) target(%arg12 : memref<128xi32, #tpu.memory_space<vmem>>) target_semaphore(%arg20 : memref<!tpu.dma_semaphore, #tpu.memory_space<semaphore_mem>>)
    %scan3A = arith.constant 0 : i32
    %scan3A_34 = arith.constant 0 : i32
    %scan3A_35 = arith.constant 12 : i32
    %scan3A_36 = arith.addi %scan3A_34, %scan3A_35 : i32
    %scan3A_37 = arith.constant 1 : i32
    scf.for %scan3A_108 = %scan3A_34 to %scan3A_36 step %scan3A_37  : i32 {
      %dma_wait3A_109 = arith.constant 0 : i32
      %dma_wait3A_110 = tpu.memref_slice %arg2[%dma_wait3A_109] : memref<320000xi32, #tpu.memory_space<hbm>> -> memref<128xi32, #tpu.memory_space<hbm>>
      %dma_wait3A_111 = arith.constant 0 : i32
      %dma_wait3A_112 = tpu.memref_slice %arg2[%dma_wait3A_111] : memref<320000xi32, #tpu.memory_space<hbm>> -> memref<128xi32, #tpu.memory_space<hbm>>
      tpu.wait_dma2 semaphore(%arg15 : memref<!tpu.dma_semaphore, #tpu.memory_space<semaphore_mem>>) src(%dma_wait3A_112 : memref<128xi32, #tpu.memory_space<hbm>>) dst(%arg7 : memref<128xi32, #tpu.memory_space<vmem>>)
      %dma_start3A_113 = arith.constant 0 : i32
      %dma_start3A_114 = tpu.memref_slice %arg14[%dma_start3A_113] : memref<10240xf32, #tpu.memory_space<vmem_shared>> -> memref<10240xf32, #tpu.memory_space<vmem_shared>>
      tpu.enqueue_indirect_dma source(%arg6 : memref<128xf32, #tpu.memory_space<vmem>>) target(%dma_start3A_114 : memref<10240xf32, #tpu.memory_space<vmem_shared>>) offsets(%arg7 : memref<128xi32, #tpu.memory_space<vmem>>) semaphore(%arg21 : memref<!tpu.dma_semaphore, #tpu.memory_space<semaphore_mem>>) {add = true}
      %dma_wait3A_115 = arith.constant 0 : i32
      %dma_wait3A_116 = tpu.memref_slice %arg2[%dma_wait3A_115] : memref<320000xi32, #tpu.memory_space<hbm>> -> memref<128xi32, #tpu.memory_space<hbm>>
      %dma_wait3A_117 = arith.constant 0 : i32
      %dma_wait3A_118 = tpu.memref_slice %arg2[%dma_wait3A_117] : memref<320000xi32, #tpu.memory_space<hbm>> -> memref<128xi32, #tpu.memory_space<hbm>>
      tpu.wait_dma2 semaphore(%arg16 : memref<!tpu.dma_semaphore, #tpu.memory_space<semaphore_mem>>) src(%dma_wait3A_118 : memref<128xi32, #tpu.memory_space<hbm>>) dst(%arg8 : memref<128xi32, #tpu.memory_space<vmem>>)
      %dma_start3A_119 = arith.constant 0 : i32
      %dma_start3A_120 = tpu.memref_slice %arg14[%dma_start3A_119] : memref<10240xf32, #tpu.memory_space<vmem_shared>> -> memref<10240xf32, #tpu.memory_space<vmem_shared>>
      tpu.enqueue_indirect_dma source(%arg6 : memref<128xf32, #tpu.memory_space<vmem>>) target(%dma_start3A_120 : memref<10240xf32, #tpu.memory_space<vmem_shared>>) offsets(%arg8 : memref<128xi32, #tpu.memory_space<vmem>>) semaphore(%arg22 : memref<!tpu.dma_semaphore, #tpu.memory_space<semaphore_mem>>) {add = true}
      %dma_wait3A_121 = arith.constant 0 : i32
      %dma_wait3A_122 = tpu.memref_slice %arg2[%dma_wait3A_121] : memref<320000xi32, #tpu.memory_space<hbm>> -> memref<128xi32, #tpu.memory_space<hbm>>
      %dma_wait3A_123 = arith.constant 0 : i32
      %dma_wait3A_124 = tpu.memref_slice %arg2[%dma_wait3A_123] : memref<320000xi32, #tpu.memory_space<hbm>> -> memref<128xi32, #tpu.memory_space<hbm>>
      tpu.wait_dma2 semaphore(%arg17 : memref<!tpu.dma_semaphore, #tpu.memory_space<semaphore_mem>>) src(%dma_wait3A_124 : memref<128xi32, #tpu.memory_space<hbm>>) dst(%arg9 : memref<128xi32, #tpu.memory_space<vmem>>)
      %dma_start3A_125 = arith.constant 0 : i32
      %dma_start3A_126 = tpu.memref_slice %arg14[%dma_start3A_125] : memref<10240xf32, #tpu.memory_space<vmem_shared>> -> memref<10240xf32, #tpu.memory_space<vmem_shared>>
      tpu.enqueue_indirect_dma source(%arg6 : memref<128xf32, #tpu.memory_space<vmem>>) target(%dma_start3A_126 : memref<10240xf32, #tpu.memory_space<vmem_shared>>) offsets(%arg9 : memref<128xi32, #tpu.memory_space<vmem>>) semaphore(%arg23 : memref<!tpu.dma_semaphore, #tpu.memory_space<semaphore_mem>>) {add = true}
      %dma_wait3A_127 = arith.constant 0 : i32
      %dma_wait3A_128 = tpu.memref_slice %arg2[%dma_wait3A_127] : memref<320000xi32, #tpu.memory_space<hbm>> -> memref<128xi32, #tpu.memory_space<hbm>>
      %dma_wait3A_129 = arith.constant 0 : i32
      %dma_wait3A_130 = tpu.memref_slice %arg2[%dma_wait3A_129] : memref<320000xi32, #tpu.memory_space<hbm>> -> memref<128xi32, #tpu.memory_space<hbm>>
      tpu.wait_dma2 semaphore(%arg18 : memref<!tpu.dma_semaphore, #tpu.memory_space<semaphore_mem>>) src(%dma_wait3A_130 : memref<128xi32, #tpu.memory_space<hbm>>) dst(%arg10 : memref<128xi32, #tpu.memory_space<vmem>>)
      %dma_start3A_131 = arith.constant 0 : i32
      %dma_start3A_132 = tpu.memref_slice %arg14[%dma_start3A_131] : memref<10240xf32, #tpu.memory_space<vmem_shared>> -> memref<10240xf32, #tpu.memory_space<vmem_shared>>
      tpu.enqueue_indirect_dma source(%arg6 : memref<128xf32, #tpu.memory_space<vmem>>) target(%dma_start3A_132 : memref<10240xf32, #tpu.memory_space<vmem_shared>>) offsets(%arg10 : memref<128xi32, #tpu.memory_space<vmem>>) semaphore(%arg24 : memref<!tpu.dma_semaphore, #tpu.memory_space<semaphore_mem>>) {add = true}
      %dma_wait3A_133 = arith.constant 0 : i32
      %dma_wait3A_134 = tpu.memref_slice %arg2[%dma_wait3A_133] : memref<320000xi32, #tpu.memory_space<hbm>> -> memref<128xi32, #tpu.memory_space<hbm>>
      %dma_wait3A_135 = arith.constant 0 : i32
      %dma_wait3A_136 = tpu.memref_slice %arg2[%dma_wait3A_135] : memref<320000xi32, #tpu.memory_space<hbm>> -> memref<128xi32, #tpu.memory_space<hbm>>
      tpu.wait_dma2 semaphore(%arg19 : memref<!tpu.dma_semaphore, #tpu.memory_space<semaphore_mem>>) src(%dma_wait3A_136 : memref<128xi32, #tpu.memory_space<hbm>>) dst(%arg11 : memref<128xi32, #tpu.memory_space<vmem>>)
      %dma_start3A_137 = arith.constant 0 : i32
      %dma_start3A_138 = tpu.memref_slice %arg14[%dma_start3A_137] : memref<10240xf32, #tpu.memory_space<vmem_shared>> -> memref<10240xf32, #tpu.memory_space<vmem_shared>>
      tpu.enqueue_indirect_dma source(%arg6 : memref<128xf32, #tpu.memory_space<vmem>>) target(%dma_start3A_138 : memref<10240xf32, #tpu.memory_space<vmem_shared>>) offsets(%arg11 : memref<128xi32, #tpu.memory_space<vmem>>) semaphore(%arg25 : memref<!tpu.dma_semaphore, #tpu.memory_space<semaphore_mem>>) {add = true}
      %dma_wait3A_139 = arith.constant 0 : i32
      %dma_wait3A_140 = tpu.memref_slice %arg2[%dma_wait3A_139] : memref<320000xi32, #tpu.memory_space<hbm>> -> memref<128xi32, #tpu.memory_space<hbm>>
      %dma_wait3A_141 = arith.constant 0 : i32
      %dma_wait3A_142 = tpu.memref_slice %arg2[%dma_wait3A_141] : memref<320000xi32, #tpu.memory_space<hbm>> -> memref<128xi32, #tpu.memory_space<hbm>>
      tpu.wait_dma2 semaphore(%arg20 : memref<!tpu.dma_semaphore, #tpu.memory_space<semaphore_mem>>) src(%dma_wait3A_142 : memref<128xi32, #tpu.memory_space<hbm>>) dst(%arg12 : memref<128xi32, #tpu.memory_space<vmem>>)
      %dma_start3A_143 = arith.constant 0 : i32
      %dma_start3A_144 = tpu.memref_slice %arg14[%dma_start3A_143] : memref<10240xf32, #tpu.memory_space<vmem_shared>> -> memref<10240xf32, #tpu.memory_space<vmem_shared>>
      tpu.enqueue_indirect_dma source(%arg6 : memref<128xf32, #tpu.memory_space<vmem>>) target(%dma_start3A_144 : memref<10240xf32, #tpu.memory_space<vmem_shared>>) offsets(%arg12 : memref<128xi32, #tpu.memory_space<vmem>>) semaphore(%arg26 : memref<!tpu.dma_semaphore, #tpu.memory_space<semaphore_mem>>) {add = true}
      %dma_wait3A_145 = arith.constant 0 : i32
      %dma_wait3A_146 = tpu.memref_slice %arg2[%dma_wait3A_145] : memref<320000xi32, #tpu.memory_space<hbm>> -> memref<128xi32, #tpu.memory_space<hbm>>
      %dma_wait3A_147 = arith.constant 0 : i32
      %dma_wait3A_148 = tpu.memref_slice %arg2[%dma_wait3A_147] : memref<320000xi32, #tpu.memory_space<hbm>> -> memref<128xi32, #tpu.memory_space<hbm>>
      tpu.wait_dma2 semaphore(%arg21 : memref<!tpu.dma_semaphore, #tpu.memory_space<semaphore_mem>>) src(%dma_wait3A_148 : memref<128xi32, #tpu.memory_space<hbm>>) dst(%arg7 : memref<128xi32, #tpu.memory_space<vmem>>)
      %add3A_149 = arith.constant 1 : i32
      %add3A_150 = arith.addi %scan3A_108, %add3A_149 : i32
      %mul3A_151 = arith.constant 6 : i32
      %mul3A_152 = arith.muli %add3A_150, %mul3A_151 : i32
      %add3A_153 = arith.constant 0 : i32
      %add3A_154 = arith.addi %mul3A_152, %add3A_153 : i32
      %mul3A_155 = arith.constant 128 : i32
      %mul3A_156 = arith.muli %add3A_154, %mul3A_155 : i32
      %add3A_157 = arith.addi %add3A_6, %mul3A_156 : i32
      %dma_start3A_158 = tpu.memref_slice %arg2[%add3A_157] : memref<320000xi32, #tpu.memory_space<hbm>> -> memref<128xi32, #tpu.memory_space<hbm>>
      %dma_start3A_159 = tpu.memref_slice %arg2[%add3A_157] : memref<320000xi32, #tpu.memory_space<hbm>> -> memref<128xi32, #tpu.memory_space<hbm>>
      tpu.enqueue_dma source(%dma_start3A_159 : memref<128xi32, #tpu.memory_space<hbm>>) target(%arg7 : memref<128xi32, #tpu.memory_space<vmem>>) target_semaphore(%arg15 : memref<!tpu.dma_semaphore, #tpu.memory_space<semaphore_mem>>)
      %dma_wait3A_160 = arith.constant 0 : i32
      %dma_wait3A_161 = tpu.memref_slice %arg2[%dma_wait3A_160] : memref<320000xi32, #tpu.memory_space<hbm>> -> memref<128xi32, #tpu.memory_space<hbm>>
      %dma_wait3A_162 = arith.constant 0 : i32
      %dma_wait3A_163 = tpu.memref_slice %arg2[%dma_wait3A_162] : memref<320000xi32, #tpu.memory_space<hbm>> -> memref<128xi32, #tpu.memory_space<hbm>>
      tpu.wait_dma2 semaphore(%arg22 : memref<!tpu.dma_semaphore, #tpu.memory_space<semaphore_mem>>) src(%dma_wait3A_163 : memref<128xi32, #tpu.memory_space<hbm>>) dst(%arg8 : memref<128xi32, #tpu.memory_space<vmem>>)
      %add3A_164 = arith.constant 1 : i32
      %add3A_165 = arith.addi %scan3A_108, %add3A_164 : i32
      %mul3A_166 = arith.constant 6 : i32
      %mul3A_167 = arith.muli %add3A_165, %mul3A_166 : i32
      %add3A_168 = arith.constant 1 : i32
      %add3A_169 = arith.addi %mul3A_167, %add3A_168 : i32
      %mul3A_170 = arith.constant 128 : i32
      %mul3A_171 = arith.muli %add3A_169, %mul3A_170 : i32
      %add3A_172 = arith.addi %add3A_6, %mul3A_171 : i32
      %dma_start3A_173 = tpu.memref_slice %arg2[%add3A_172] : memref<320000xi32, #tpu.memory_space<hbm>> -> memref<128xi32, #tpu.memory_space<hbm>>
      %dma_start3A_174 = tpu.memref_slice %arg2[%add3A_172] : memref<320000xi32, #tpu.memory_space<hbm>> -> memref<128xi32, #tpu.memory_space<hbm>>
      tpu.enqueue_dma source(%dma_start3A_174 : memref<128xi32, #tpu.memory_space<hbm>>) target(%arg8 : memref<128xi32, #tpu.memory_space<vmem>>) target_semaphore(%arg16 : memref<!tpu.dma_semaphore, #tpu.memory_space<semaphore_mem>>)
      %dma_wait3A_175 = arith.constant 0 : i32
      %dma_wait3A_176 = tpu.memref_slice %arg2[%dma_wait3A_175] : memref<320000xi32, #tpu.memory_space<hbm>> -> memref<128xi32, #tpu.memory_space<hbm>>
      %dma_wait3A_177 = arith.constant 0 : i32
      %dma_wait3A_178 = tpu.memref_slice %arg2[%dma_wait3A_177] : memref<320000xi32, #tpu.memory_space<hbm>> -> memref<128xi32, #tpu.memory_space<hbm>>
      tpu.wait_dma2 semaphore(%arg23 : memref<!tpu.dma_semaphore, #tpu.memory_space<semaphore_mem>>) src(%dma_wait3A_178 : memref<128xi32, #tpu.memory_space<hbm>>) dst(%arg9 : memref<128xi32, #tpu.memory_space<vmem>>)
      %add3A_179 = arith.constant 1 : i32
      %add3A_180 = arith.addi %scan3A_108, %add3A_179 : i32
      %mul3A_181 = arith.constant 6 : i32
      %mul3A_182 = arith.muli %add3A_180, %mul3A_181 : i32
      %add3A_183 = arith.constant 2 : i32
      %add3A_184 = arith.addi %mul3A_182, %add3A_183 : i32
      %mul3A_185 = arith.constant 128 : i32
      %mul3A_186 = arith.muli %add3A_184, %mul3A_185 : i32
      %add3A_187 = arith.addi %add3A_6, %mul3A_186 : i32
      %dma_start3A_188 = tpu.memref_slice %arg2[%add3A_187] : memref<320000xi32, #tpu.memory_space<hbm>> -> memref<128xi32, #tpu.memory_space<hbm>>
      %dma_start3A_189 = tpu.memref_slice %arg2[%add3A_187] : memref<320000xi32, #tpu.memory_space<hbm>> -> memref<128xi32, #tpu.memory_space<hbm>>
      tpu.enqueue_dma source(%dma_start3A_189 : memref<128xi32, #tpu.memory_space<hbm>>) target(%arg9 : memref<128xi32, #tpu.memory_space<vmem>>) target_semaphore(%arg17 : memref<!tpu.dma_semaphore, #tpu.memory_space<semaphore_mem>>)
      %dma_wait3A_190 = arith.constant 0 : i32
      %dma_wait3A_191 = tpu.memref_slice %arg2[%dma_wait3A_190] : memref<320000xi32, #tpu.memory_space<hbm>> -> memref<128xi32, #tpu.memory_space<hbm>>
      %dma_wait3A_192 = arith.constant 0 : i32
      %dma_wait3A_193 = tpu.memref_slice %arg2[%dma_wait3A_192] : memref<320000xi32, #tpu.memory_space<hbm>> -> memref<128xi32, #tpu.memory_space<hbm>>
      tpu.wait_dma2 semaphore(%arg24 : memref<!tpu.dma_semaphore, #tpu.memory_space<semaphore_mem>>) src(%dma_wait3A_193 : memref<128xi32, #tpu.memory_space<hbm>>) dst(%arg10 : memref<128xi32, #tpu.memory_space<vmem>>)
      %add3A_194 = arith.constant 1 : i32
      %add3A_195 = arith.addi %scan3A_108, %add3A_194 : i32
      %mul3A_196 = arith.constant 6 : i32
      %mul3A_197 = arith.muli %add3A_195, %mul3A_196 : i32
      %add3A_198 = arith.constant 3 : i32
      %add3A_199 = arith.addi %mul3A_197, %add3A_198 : i32
      %mul3A_200 = arith.constant 128 : i32
      %mul3A_201 = arith.muli %add3A_199, %mul3A_200 : i32
      %add3A_202 = arith.addi %add3A_6, %mul3A_201 : i32
      %dma_start3A_203 = tpu.memref_slice %arg2[%add3A_202] : memref<320000xi32, #tpu.memory_space<hbm>> -> memref<128xi32, #tpu.memory_space<hbm>>
      %dma_start3A_204 = tpu.memref_slice %arg2[%add3A_202] : memref<320000xi32, #tpu.memory_space<hbm>> -> memref<128xi32, #tpu.memory_space<hbm>>
      tpu.enqueue_dma source(%dma_start3A_204 : memref<128xi32, #tpu.memory_space<hbm>>) target(%arg10 : memref<128xi32, #tpu.memory_space<vmem>>) target_semaphore(%arg18 : memref<!tpu.dma_semaphore, #tpu.memory_space<semaphore_mem>>)
      %dma_wait3A_205 = arith.constant 0 : i32
      %dma_wait3A_206 = tpu.memref_slice %arg2[%dma_wait3A_205] : memref<320000xi32, #tpu.memory_space<hbm>> -> memref<128xi32, #tpu.memory_space<hbm>>
      %dma_wait3A_207 = arith.constant 0 : i32
      %dma_wait3A_208 = tpu.memref_slice %arg2[%dma_wait3A_207] : memref<320000xi32, #tpu.memory_space<hbm>> -> memref<128xi32, #tpu.memory_space<hbm>>
      tpu.wait_dma2 semaphore(%arg25 : memref<!tpu.dma_semaphore, #tpu.memory_space<semaphore_mem>>) src(%dma_wait3A_208 : memref<128xi32, #tpu.memory_space<hbm>>) dst(%arg11 : memref<128xi32, #tpu.memory_space<vmem>>)
      %add3A_209 = arith.constant 1 : i32
      %add3A_210 = arith.addi %scan3A_108, %add3A_209 : i32
      %mul3A_211 = arith.constant 6 : i32
      %mul3A_212 = arith.muli %add3A_210, %mul3A_211 : i32
      %add3A_213 = arith.constant 4 : i32
      %add3A_214 = arith.addi %mul3A_212, %add3A_213 : i32
      %mul3A_215 = arith.constant 128 : i32
      %mul3A_216 = arith.muli %add3A_214, %mul3A_215 : i32
      %add3A_217 = arith.addi %add3A_6, %mul3A_216 : i32
      %dma_start3A_218 = tpu.memref_slice %arg2[%add3A_217] : memref<320000xi32, #tpu.memory_space<hbm>> -> memref<128xi32, #tpu.memory_space<hbm>>
      %dma_start3A_219 = tpu.memref_slice %arg2[%add3A_217] : memref<320000xi32, #tpu.memory_space<hbm>> -> memref<128xi32, #tpu.memory_space<hbm>>
      tpu.enqueue_dma source(%dma_start3A_219 : memref<128xi32, #tpu.memory_space<hbm>>) target(%arg11 : memref<128xi32, #tpu.memory_space<vmem>>) target_semaphore(%arg19 : memref<!tpu.dma_semaphore, #tpu.memory_space<semaphore_mem>>)
      %dma_wait3A_220 = arith.constant 0 : i32
      %dma_wait3A_221 = tpu.memref_slice %arg2[%dma_wait3A_220] : memref<320000xi32, #tpu.memory_space<hbm>> -> memref<128xi32, #tpu.memory_space<hbm>>
      %dma_wait3A_222 = arith.constant 0 : i32
      %dma_wait3A_223 = tpu.memref_slice %arg2[%dma_wait3A_222] : memref<320000xi32, #tpu.memory_space<hbm>> -> memref<128xi32, #tpu.memory_space<hbm>>
      tpu.wait_dma2 semaphore(%arg26 : memref<!tpu.dma_semaphore, #tpu.memory_space<semaphore_mem>>) src(%dma_wait3A_223 : memref<128xi32, #tpu.memory_space<hbm>>) dst(%arg12 : memref<128xi32, #tpu.memory_space<vmem>>)
      %add3A_224 = arith.constant 1 : i32
      %add3A_225 = arith.addi %scan3A_108, %add3A_224 : i32
      %mul3A_226 = arith.constant 6 : i32
      %mul3A_227 = arith.muli %add3A_225, %mul3A_226 : i32
      %add3A_228 = arith.constant 5 : i32
      %add3A_229 = arith.addi %mul3A_227, %add3A_228 : i32
      %mul3A_230 = arith.constant 128 : i32
      %mul3A_231 = arith.muli %add3A_229, %mul3A_230 : i32
      %add3A_232 = arith.addi %add3A_6, %mul3A_231 : i32
      %dma_start3A_233 = tpu.memref_slice %arg2[%add3A_232] : memref<320000xi32, #tpu.memory_space<hbm>> -> memref<128xi32, #tpu.memory_space<hbm>>
      %dma_start3A_234 = tpu.memref_slice %arg2[%add3A_232] : memref<320000xi32, #tpu.memory_space<hbm>> -> memref<128xi32, #tpu.memory_space<hbm>>
      tpu.enqueue_dma source(%dma_start3A_234 : memref<128xi32, #tpu.memory_space<hbm>>) target(%arg12 : memref<128xi32, #tpu.memory_space<vmem>>) target_semaphore(%arg20 : memref<!tpu.dma_semaphore, #tpu.memory_space<semaphore_mem>>)
    }
    %scan3A_38 = arith.constant 12 : i32
    %dma_wait3A = arith.constant 0 : i32
    %dma_wait3A_39 = tpu.memref_slice %arg2[%dma_wait3A] : memref<320000xi32, #tpu.memory_space<hbm>> -> memref<128xi32, #tpu.memory_space<hbm>>
    %dma_wait3A_40 = arith.constant 0 : i32
    %dma_wait3A_41 = tpu.memref_slice %arg2[%dma_wait3A_40] : memref<320000xi32, #tpu.memory_space<hbm>> -> memref<128xi32, #tpu.memory_space<hbm>>
    tpu.wait_dma2 semaphore(%arg15 : memref<!tpu.dma_semaphore, #tpu.memory_space<semaphore_mem>>) src(%dma_wait3A_41 : memref<128xi32, #tpu.memory_space<hbm>>) dst(%arg7 : memref<128xi32, #tpu.memory_space<vmem>>)
    %dma_start3A_42 = arith.constant 0 : i32
    %dma_start3A_43 = tpu.memref_slice %arg14[%dma_start3A_42] : memref<10240xf32, #tpu.memory_space<vmem_shared>> -> memref<10240xf32, #tpu.memory_space<vmem_shared>>
    tpu.enqueue_indirect_dma source(%arg6 : memref<128xf32, #tpu.memory_space<vmem>>) target(%dma_start3A_43 : memref<10240xf32, #tpu.memory_space<vmem_shared>>) offsets(%arg7 : memref<128xi32, #tpu.memory_space<vmem>>) semaphore(%arg21 : memref<!tpu.dma_semaphore, #tpu.memory_space<semaphore_mem>>) {add = true}
    %dma_wait3A_44 = arith.constant 0 : i32
    %dma_wait3A_45 = tpu.memref_slice %arg2[%dma_wait3A_44] : memref<320000xi32, #tpu.memory_space<hbm>> -> memref<128xi32, #tpu.memory_space<hbm>>
    %dma_wait3A_46 = arith.constant 0 : i32
    %dma_wait3A_47 = tpu.memref_slice %arg2[%dma_wait3A_46] : memref<320000xi32, #tpu.memory_space<hbm>> -> memref<128xi32, #tpu.memory_space<hbm>>
    tpu.wait_dma2 semaphore(%arg16 : memref<!tpu.dma_semaphore, #tpu.memory_space<semaphore_mem>>) src(%dma_wait3A_47 : memref<128xi32, #tpu.memory_space<hbm>>) dst(%arg8 : memref<128xi32, #tpu.memory_space<vmem>>)
    %dma_start3A_48 = arith.constant 0 : i32
    %dma_start3A_49 = tpu.memref_slice %arg14[%dma_start3A_48] : memref<10240xf32, #tpu.memory_space<vmem_shared>> -> memref<10240xf32, #tpu.memory_space<vmem_shared>>
    tpu.enqueue_indirect_dma source(%arg6 : memref<128xf32, #tpu.memory_space<vmem>>) target(%dma_start3A_49 : memref<10240xf32, #tpu.memory_space<vmem_shared>>) offsets(%arg8 : memref<128xi32, #tpu.memory_space<vmem>>) semaphore(%arg22 : memref<!tpu.dma_semaphore, #tpu.memory_space<semaphore_mem>>) {add = true}
    %dma_wait3A_50 = arith.constant 0 : i32
    %dma_wait3A_51 = tpu.memref_slice %arg2[%dma_wait3A_50] : memref<320000xi32, #tpu.memory_space<hbm>> -> memref<128xi32, #tpu.memory_space<hbm>>
    %dma_wait3A_52 = arith.constant 0 : i32
    %dma_wait3A_53 = tpu.memref_slice %arg2[%dma_wait3A_52] : memref<320000xi32, #tpu.memory_space<hbm>> -> memref<128xi32, #tpu.memory_space<hbm>>
    tpu.wait_dma2 semaphore(%arg17 : memref<!tpu.dma_semaphore, #tpu.memory_space<semaphore_mem>>) src(%dma_wait3A_53 : memref<128xi32, #tpu.memory_space<hbm>>) dst(%arg9 : memref<128xi32, #tpu.memory_space<vmem>>)
    %dma_start3A_54 = arith.constant 0 : i32
    %dma_start3A_55 = tpu.memref_slice %arg14[%dma_start3A_54] : memref<10240xf32, #tpu.memory_space<vmem_shared>> -> memref<10240xf32, #tpu.memory_space<vmem_shared>>
    tpu.enqueue_indirect_dma source(%arg6 : memref<128xf32, #tpu.memory_space<vmem>>) target(%dma_start3A_55 : memref<10240xf32, #tpu.memory_space<vmem_shared>>) offsets(%arg9 : memref<128xi32, #tpu.memory_space<vmem>>) semaphore(%arg23 : memref<!tpu.dma_semaphore, #tpu.memory_space<semaphore_mem>>) {add = true}
    %dma_wait3A_56 = arith.constant 0 : i32
    %dma_wait3A_57 = tpu.memref_slice %arg2[%dma_wait3A_56] : memref<320000xi32, #tpu.memory_space<hbm>> -> memref<128xi32, #tpu.memory_space<hbm>>
    %dma_wait3A_58 = arith.constant 0 : i32
    %dma_wait3A_59 = tpu.memref_slice %arg2[%dma_wait3A_58] : memref<320000xi32, #tpu.memory_space<hbm>> -> memref<128xi32, #tpu.memory_space<hbm>>
    tpu.wait_dma2 semaphore(%arg18 : memref<!tpu.dma_semaphore, #tpu.memory_space<semaphore_mem>>) src(%dma_wait3A_59 : memref<128xi32, #tpu.memory_space<hbm>>) dst(%arg10 : memref<128xi32, #tpu.memory_space<vmem>>)
    %dma_start3A_60 = arith.constant 0 : i32
    %dma_start3A_61 = tpu.memref_slice %arg14[%dma_start3A_60] : memref<10240xf32, #tpu.memory_space<vmem_shared>> -> memref<10240xf32, #tpu.memory_space<vmem_shared>>
    tpu.enqueue_indirect_dma source(%arg6 : memref<128xf32, #tpu.memory_space<vmem>>) target(%dma_start3A_61 : memref<10240xf32, #tpu.memory_space<vmem_shared>>) offsets(%arg10 : memref<128xi32, #tpu.memory_space<vmem>>) semaphore(%arg24 : memref<!tpu.dma_semaphore, #tpu.memory_space<semaphore_mem>>) {add = true}
    %dma_wait3A_62 = arith.constant 0 : i32
    %dma_wait3A_63 = tpu.memref_slice %arg2[%dma_wait3A_62] : memref<320000xi32, #tpu.memory_space<hbm>> -> memref<128xi32, #tpu.memory_space<hbm>>
    %dma_wait3A_64 = arith.constant 0 : i32
    %dma_wait3A_65 = tpu.memref_slice %arg2[%dma_wait3A_64] : memref<320000xi32, #tpu.memory_space<hbm>> -> memref<128xi32, #tpu.memory_space<hbm>>
    tpu.wait_dma2 semaphore(%arg19 : memref<!tpu.dma_semaphore, #tpu.memory_space<semaphore_mem>>) src(%dma_wait3A_65 : memref<128xi32, #tpu.memory_space<hbm>>) dst(%arg11 : memref<128xi32, #tpu.memory_space<vmem>>)
    %dma_start3A_66 = arith.constant 0 : i32
    %dma_start3A_67 = tpu.memref_slice %arg14[%dma_start3A_66] : memref<10240xf32, #tpu.memory_space<vmem_shared>> -> memref<10240xf32, #tpu.memory_space<vmem_shared>>
    tpu.enqueue_indirect_dma source(%arg6 : memref<128xf32, #tpu.memory_space<vmem>>) target(%dma_start3A_67 : memref<10240xf32, #tpu.memory_space<vmem_shared>>) offsets(%arg11 : memref<128xi32, #tpu.memory_space<vmem>>) semaphore(%arg25 : memref<!tpu.dma_semaphore, #tpu.memory_space<semaphore_mem>>) {add = true}
    %dma_wait3A_68 = arith.constant 0 : i32
    %dma_wait3A_69 = tpu.memref_slice %arg2[%dma_wait3A_68] : memref<320000xi32, #tpu.memory_space<hbm>> -> memref<128xi32, #tpu.memory_space<hbm>>
    %dma_wait3A_70 = arith.constant 0 : i32
    %dma_wait3A_71 = tpu.memref_slice %arg2[%dma_wait3A_70] : memref<320000xi32, #tpu.memory_space<hbm>> -> memref<128xi32, #tpu.memory_space<hbm>>
    tpu.wait_dma2 semaphore(%arg20 : memref<!tpu.dma_semaphore, #tpu.memory_space<semaphore_mem>>) src(%dma_wait3A_71 : memref<128xi32, #tpu.memory_space<hbm>>) dst(%arg12 : memref<128xi32, #tpu.memory_space<vmem>>)
    %dma_start3A_72 = arith.constant 0 : i32
    %dma_start3A_73 = tpu.memref_slice %arg14[%dma_start3A_72] : memref<10240xf32, #tpu.memory_space<vmem_shared>> -> memref<10240xf32, #tpu.memory_space<vmem_shared>>
    tpu.enqueue_indirect_dma source(%arg6 : memref<128xf32, #tpu.memory_space<vmem>>) target(%dma_start3A_73 : memref<10240xf32, #tpu.memory_space<vmem_shared>>) offsets(%arg12 : memref<128xi32, #tpu.memory_space<vmem>>) semaphore(%arg26 : memref<!tpu.dma_semaphore, #tpu.memory_space<semaphore_mem>>) {add = true}
    %dma_wait3A_74 = arith.constant 0 : i32
    %dma_wait3A_75 = tpu.memref_slice %arg2[%dma_wait3A_74] : memref<320000xi32, #tpu.memory_space<hbm>> -> memref<128xi32, #tpu.memory_space<hbm>>
    %dma_wait3A_76 = arith.constant 0 : i32
    %dma_wait3A_77 = tpu.memref_slice %arg2[%dma_wait3A_76] : memref<320000xi32, #tpu.memory_space<hbm>> -> memref<128xi32, #tpu.memory_space<hbm>>
    tpu.wait_dma2 semaphore(%arg21 : memref<!tpu.dma_semaphore, #tpu.memory_space<semaphore_mem>>) src(%dma_wait3A_77 : memref<128xi32, #tpu.memory_space<hbm>>) dst(%arg7 : memref<128xi32, #tpu.memory_space<vmem>>)
    %dma_wait3A_78 = arith.constant 0 : i32
    %dma_wait3A_79 = tpu.memref_slice %arg2[%dma_wait3A_78] : memref<320000xi32, #tpu.memory_space<hbm>> -> memref<128xi32, #tpu.memory_space<hbm>>
    %dma_wait3A_80 = arith.constant 0 : i32
    %dma_wait3A_81 = tpu.memref_slice %arg2[%dma_wait3A_80] : memref<320000xi32, #tpu.memory_space<hbm>> -> memref<128xi32, #tpu.memory_space<hbm>>
    tpu.wait_dma2 semaphore(%arg22 : memref<!tpu.dma_semaphore, #tpu.memory_space<semaphore_mem>>) src(%dma_wait3A_81 : memref<128xi32, #tpu.memory_space<hbm>>) dst(%arg8 : memref<128xi32, #tpu.memory_space<vmem>>)
    %dma_wait3A_82 = arith.constant 0 : i32
    %dma_wait3A_83 = tpu.memref_slice %arg2[%dma_wait3A_82] : memref<320000xi32, #tpu.memory_space<hbm>> -> memref<128xi32, #tpu.memory_space<hbm>>
    %dma_wait3A_84 = arith.constant 0 : i32
    %dma_wait3A_85 = tpu.memref_slice %arg2[%dma_wait3A_84] : memref<320000xi32, #tpu.memory_space<hbm>> -> memref<128xi32, #tpu.memory_space<hbm>>
    tpu.wait_dma2 semaphore(%arg23 : memref<!tpu.dma_semaphore, #tpu.memory_space<semaphore_mem>>) src(%dma_wait3A_85 : memref<128xi32, #tpu.memory_space<hbm>>) dst(%arg9 : memref<128xi32, #tpu.memory_space<vmem>>)
    %dma_wait3A_86 = arith.constant 0 : i32
    %dma_wait3A_87 = tpu.memref_slice %arg2[%dma_wait3A_86] : memref<320000xi32, #tpu.memory_space<hbm>> -> memref<128xi32, #tpu.memory_space<hbm>>
    %dma_wait3A_88 = arith.constant 0 : i32
    %dma_wait3A_89 = tpu.memref_slice %arg2[%dma_wait3A_88] : memref<320000xi32, #tpu.memory_space<hbm>> -> memref<128xi32, #tpu.memory_space<hbm>>
    tpu.wait_dma2 semaphore(%arg24 : memref<!tpu.dma_semaphore, #tpu.memory_space<semaphore_mem>>) src(%dma_wait3A_89 : memref<128xi32, #tpu.memory_space<hbm>>) dst(%arg10 : memref<128xi32, #tpu.memory_space<vmem>>)
    %dma_wait3A_90 = arith.constant 0 : i32
    %dma_wait3A_91 = tpu.memref_slice %arg2[%dma_wait3A_90] : memref<320000xi32, #tpu.memory_space<hbm>> -> memref<128xi32, #tpu.memory_space<hbm>>
    %dma_wait3A_92 = arith.constant 0 : i32
    %dma_wait3A_93 = tpu.memref_slice %arg2[%dma_wait3A_92] : memref<320000xi32, #tpu.memory_space<hbm>> -> memref<128xi32, #tpu.memory_space<hbm>>
    tpu.wait_dma2 semaphore(%arg25 : memref<!tpu.dma_semaphore, #tpu.memory_space<semaphore_mem>>) src(%dma_wait3A_93 : memref<128xi32, #tpu.memory_space<hbm>>) dst(%arg11 : memref<128xi32, #tpu.memory_space<vmem>>)
    %dma_wait3A_94 = arith.constant 0 : i32
    %dma_wait3A_95 = tpu.memref_slice %arg2[%dma_wait3A_94] : memref<320000xi32, #tpu.memory_space<hbm>> -> memref<128xi32, #tpu.memory_space<hbm>>
    %dma_wait3A_96 = arith.constant 0 : i32
    %dma_wait3A_97 = tpu.memref_slice %arg2[%dma_wait3A_96] : memref<320000xi32, #tpu.memory_space<hbm>> -> memref<128xi32, #tpu.memory_space<hbm>>
    tpu.wait_dma2 semaphore(%arg26 : memref<!tpu.dma_semaphore, #tpu.memory_space<semaphore_mem>>) src(%dma_wait3A_97 : memref<128xi32, #tpu.memory_space<hbm>>) dst(%arg12 : memref<128xi32, #tpu.memory_space<vmem>>)
    %lt3A = arith.constant 2 : i32
    %lt3A_98 = arith.cmpi slt, %arg1, %lt3A : i32
    %convert_element_type3A = arith.extui %lt3A_98 : i1 to i32
    %cond3A = arith.constant 0 : i32
    %cond3A_99 = arith.cmpi ne, %convert_element_type3A, %cond3A : i32
    scf.if %cond3A_99 {
      %add3A_108 = arith.constant 9984 : i32
      %add3A_109 = arith.addi %add3A_6, %add3A_108 : i32
      "tpu.region"() ({
        %run_scoped3A = tpu.sem_alloc : memref<!tpu.dma_semaphore, #tpu.memory_space<semaphore_mem>>
        %dma_start3A_116 = tpu.memref_slice %arg2[%add3A_109] : memref<320000xi32, #tpu.memory_space<hbm>> -> memref<128xi32, #tpu.memory_space<hbm>>
        %dma_start3A_117 = tpu.memref_slice %arg2[%add3A_109] : memref<320000xi32, #tpu.memory_space<hbm>> -> memref<128xi32, #tpu.memory_space<hbm>>
        tpu.enqueue_dma source(%dma_start3A_117 : memref<128xi32, #tpu.memory_space<hbm>>) target(%arg13 : memref<128xi32, #tpu.memory_space<vmem>>) target_semaphore(%run_scoped3A : memref<!tpu.dma_semaphore, #tpu.memory_space<semaphore_mem>>)
        %dma_wait3A_118 = tpu.memref_slice %arg2[%add3A_109] : memref<320000xi32, #tpu.memory_space<hbm>> -> memref<128xi32, #tpu.memory_space<hbm>>
        %dma_wait3A_119 = tpu.memref_slice %arg2[%add3A_109] : memref<320000xi32, #tpu.memory_space<hbm>> -> memref<128xi32, #tpu.memory_space<hbm>>
        tpu.wait_dma2 semaphore(%run_scoped3A : memref<!tpu.dma_semaphore, #tpu.memory_space<semaphore_mem>>) src(%dma_wait3A_119 : memref<128xi32, #tpu.memory_space<hbm>>) dst(%arg13 : memref<128xi32, #tpu.memory_space<vmem>>)
        tpu.yield
      }) : () -> ()
      %dma_start3A_110 = arith.constant 0 : i32
      %dma_start3A_111 = tpu.memref_slice %arg14[%dma_start3A_110] : memref<10240xf32, #tpu.memory_space<vmem_shared>> -> memref<10240xf32, #tpu.memory_space<vmem_shared>>
      tpu.enqueue_indirect_dma source(%arg6 : memref<128xf32, #tpu.memory_space<vmem>>) target(%dma_start3A_111 : memref<10240xf32, #tpu.memory_space<vmem_shared>>) offsets(%arg13 : memref<128xi32, #tpu.memory_space<vmem>>) semaphore(%arg27 : memref<!tpu.dma_semaphore, #tpu.memory_space<semaphore_mem>>) {add = true}
      %dma_wait3A_112 = arith.constant 0 : i32
      %dma_wait3A_113 = tpu.memref_slice %arg2[%dma_wait3A_112] : memref<320000xi32, #tpu.memory_space<hbm>> -> memref<128xi32, #tpu.memory_space<hbm>>
      %dma_wait3A_114 = arith.constant 0 : i32
      %dma_wait3A_115 = tpu.memref_slice %arg2[%dma_wait3A_114] : memref<320000xi32, #tpu.memory_space<hbm>> -> memref<128xi32, #tpu.memory_space<hbm>>
      tpu.wait_dma2 semaphore(%arg27 : memref<!tpu.dma_semaphore, #tpu.memory_space<semaphore_mem>>) src(%dma_wait3A_115 : memref<128xi32, #tpu.memory_space<hbm>>) dst(%arg13 : memref<128xi32, #tpu.memory_space<vmem>>)
    } else {
    }
    %barrier3A_100 = arith.constant 0 : index
    tpu.barrier barrier_id(%barrier3A_100)
    %mul3A_101 = arith.constant 640 : i32
    %mul3A_102 = arith.muli %arg1, %mul3A_101 : i32
    %mul3A_103 = arith.constant 10240 : i32
    %mul3A_104 = arith.muli %arg0, %mul3A_103 : i32
    %mul3A_105 = arith.constant 640 : i32
    %mul3A_106 = arith.muli %arg1, %mul3A_105 : i32
    %add3A_107 = arith.addi %mul3A_104, %mul3A_106 : i32
    "tpu.region"() ({
      %run_scoped3A = tpu.sem_alloc : memref<!tpu.dma_semaphore, #tpu.memory_space<semaphore_mem>>
      %dma_start3A_108 = tpu.memref_slice %arg5[%add3A_107] : memref<20480xf32, #tpu.memory_space<hbm>> -> memref<640xf32, #tpu.memory_space<hbm>>
      %dma_start3A_109 = tpu.memref_slice %arg14[%mul3A_102] : memref<10240xf32, #tpu.memory_space<vmem_shared>> -> memref<640xf32, #tpu.memory_space<vmem_shared>>
      tpu.enqueue_dma source(%dma_start3A_109 : memref<640xf32, #tpu.memory_space<vmem_shared>>) target(%dma_start3A_108 : memref<640xf32, #tpu.memory_space<hbm>>) target_semaphore(%run_scoped3A : memref<!tpu.dma_semaphore, #tpu.memory_space<semaphore_mem>>)
      %dma_wait3A_110 = tpu.memref_slice %arg5[%add3A_107] : memref<20480xf32, #tpu.memory_space<hbm>> -> memref<640xf32, #tpu.memory_space<hbm>>
      %dma_wait3A_111 = tpu.memref_slice %arg14[%mul3A_102] : memref<10240xf32, #tpu.memory_space<vmem_shared>> -> memref<640xf32, #tpu.memory_space<vmem_shared>>
      tpu.wait_dma2 semaphore(%run_scoped3A : memref<!tpu.dma_semaphore, #tpu.memory_space<semaphore_mem>>) src(%dma_wait3A_111 : memref<640xf32, #tpu.memory_space<vmem_shared>>) dst(%dma_wait3A_110 : memref<640xf32, #tpu.memory_space<hbm>>)
      tpu.yield
    }) : () -> ()
    return
  }
}

#map = affine_map<(d0, d1) -> (0)>
#map1 = affine_map<(d0, d1) -> (0, 0)>
#map2 = affine_map<(d0, d1) -> (0, 0, 0)>
module attributes {stable_mosaic.version = 14 : i64} {
  func.func @_agg_body(%arg0: i32, %arg1: i32, %arg2: memref<320000xi32, #tpu.memory_space<hbm>>, %arg3: memref<320000xi32, #tpu.memory_space<hbm>>, %arg4: memref<10240x128xf32, #tpu.memory_space<hbm>>, %arg5: memref<10240x128xf32, #tpu.memory_space<hbm>>, %arg6: memref<2x10240x128xf32, #tpu.memory_space<hbm>>, %arg7: memref<10000xi32, #tpu.memory_space<vmem>>, %arg8: memref<80xi32, #tpu.memory_space<vmem>>, %arg9: memref<80xi32, #tpu.memory_space<vmem>>, %arg10: memref<80xi32, #tpu.memory_space<vmem>>, %arg11: memref<80x128xf32, #tpu.memory_space<vmem>>, %arg12: memref<80x128xf32, #tpu.memory_space<vmem>>, %arg13: memref<80x128xf32, #tpu.memory_space<vmem>>, %arg14: memref<10240x128xf32, #tpu.memory_space<vmem_shared>>, %arg15: memref<!tpu.dma_semaphore, #tpu.memory_space<semaphore_mem>>, %arg16: memref<!tpu.dma_semaphore, #tpu.memory_space<semaphore_mem>>, %arg17: memref<!tpu.dma_semaphore, #tpu.memory_space<semaphore_mem>>, %arg18: memref<!tpu.dma_semaphore, #tpu.memory_space<semaphore_mem>>, %arg19: memref<!tpu.dma_semaphore, #tpu.memory_space<semaphore_mem>>, %arg20: memref<!tpu.dma_semaphore, #tpu.memory_space<semaphore_mem>>, %arg21: memref<!tpu.dma_semaphore, #tpu.memory_space<semaphore_mem>>, %arg22: memref<!tpu.dma_semaphore, #tpu.memory_space<semaphore_mem>>, %arg23: memref<!tpu.dma_semaphore, #tpu.memory_space<semaphore_mem>>) attributes {dimension_semantics = [#tpu.dimension_semantics<core_parallel>, #tpu.dimension_semantics<subcore_parallel>], iteration_bounds = array<i64: 2, 16>, scalar_prefetch = 0 : i64, scratch_operands = 17 : i64, tpu.core_type = #tpu.core_type<sc_vector_subcore>, window_params = [{transform_indices = #map}, {transform_indices = #map}, {transform_indices = #map1}, {transform_indices = #map1}, {transform_indices = #map2}]} {
    %mul3A = arith.constant 160000 : i32
    %mul3A_0 = arith.muli %arg0, %mul3A : i32
    %mul3A_1 = arith.constant 125 : i32
    %mul3A_2 = arith.muli %arg1, %mul3A_1 : i32
    %min3A = arith.constant 0 : i32
    %min3A_3 = arith.minsi %arg1, %min3A : i32
    %add3A = arith.addi %mul3A_2, %min3A_3 : i32
    %mul3A_4 = arith.constant 80 : i32
    %mul3A_5 = arith.muli %add3A, %mul3A_4 : i32
    %add3A_6 = arith.addi %mul3A_0, %mul3A_5 : i32
    %mul3A_7 = arith.constant 640 : i32
    %mul3A_8 = arith.muli %arg1, %mul3A_7 : i32
    %mul3A_9 = arith.constant 640 : i32
    %mul3A_10 = arith.muli %arg1, %mul3A_9 : i32
    "tpu.region"() ({
      %run_scoped3A = tpu.sem_alloc : memref<!tpu.dma_semaphore, #tpu.memory_space<semaphore_mem>>
      %dma_start3A_161 = arith.constant 0 : i32
      %dma_start3A_162 = tpu.memref_slice %arg14[%mul3A_10, %dma_start3A_161] : memref<10240x128xf32, #tpu.memory_space<vmem_shared>> -> memref<640x128xf32, #tpu.memory_space<vmem_shared>>
      %dma_start3A_163 = arith.constant 0 : i32
      %dma_start3A_164 = tpu.memref_slice %arg5[%mul3A_8, %dma_start3A_163] : memref<10240x128xf32, #tpu.memory_space<hbm>> -> memref<640x128xf32, #tpu.memory_space<hbm>>
      tpu.enqueue_dma source(%dma_start3A_164 : memref<640x128xf32, #tpu.memory_space<hbm>>) target(%dma_start3A_162 : memref<640x128xf32, #tpu.memory_space<vmem_shared>>) target_semaphore(%run_scoped3A : memref<!tpu.dma_semaphore, #tpu.memory_space<semaphore_mem>>)
      %dma_wait3A_165 = arith.constant 0 : i32
      %dma_wait3A_166 = tpu.memref_slice %arg14[%mul3A_10, %dma_wait3A_165] : memref<10240x128xf32, #tpu.memory_space<vmem_shared>> -> memref<640x128xf32, #tpu.memory_space<vmem_shared>>
      %dma_wait3A_167 = arith.constant 0 : i32
      %dma_wait3A_168 = tpu.memref_slice %arg5[%mul3A_8, %dma_wait3A_167] : memref<10240x128xf32, #tpu.memory_space<hbm>> -> memref<640x128xf32, #tpu.memory_space<hbm>>
      tpu.wait_dma2 semaphore(%run_scoped3A : memref<!tpu.dma_semaphore, #tpu.memory_space<semaphore_mem>>) src(%dma_wait3A_168 : memref<640x128xf32, #tpu.memory_space<hbm>>) dst(%dma_wait3A_166 : memref<640x128xf32, #tpu.memory_space<vmem_shared>>)
      tpu.yield
    }) : () -> ()
    "tpu.region"() ({
      %run_scoped3A = tpu.sem_alloc : memref<!tpu.dma_semaphore, #tpu.memory_space<semaphore_mem>>
      %dma_start3A_161 = tpu.memref_slice %arg2[%add3A_6] : memref<320000xi32, #tpu.memory_space<hbm>> -> memref<10000xi32, #tpu.memory_space<hbm>>
      %dma_start3A_162 = tpu.memref_slice %arg2[%add3A_6] : memref<320000xi32, #tpu.memory_space<hbm>> -> memref<10000xi32, #tpu.memory_space<hbm>>
      tpu.enqueue_dma source(%dma_start3A_162 : memref<10000xi32, #tpu.memory_space<hbm>>) target(%arg7 : memref<10000xi32, #tpu.memory_space<vmem>>) target_semaphore(%run_scoped3A : memref<!tpu.dma_semaphore, #tpu.memory_space<semaphore_mem>>)
      %dma_wait3A_163 = tpu.memref_slice %arg2[%add3A_6] : memref<320000xi32, #tpu.memory_space<hbm>> -> memref<10000xi32, #tpu.memory_space<hbm>>
      %dma_wait3A_164 = tpu.memref_slice %arg2[%add3A_6] : memref<320000xi32, #tpu.memory_space<hbm>> -> memref<10000xi32, #tpu.memory_space<hbm>>
      tpu.wait_dma2 semaphore(%run_scoped3A : memref<!tpu.dma_semaphore, #tpu.memory_space<semaphore_mem>>) src(%dma_wait3A_164 : memref<10000xi32, #tpu.memory_space<hbm>>) dst(%arg7 : memref<10000xi32, #tpu.memory_space<vmem>>)
      tpu.yield
    }) : () -> ()
    %barrier3A = arith.constant 0 : index
    tpu.barrier barrier_id(%barrier3A)
    %add3A_11 = arith.constant 0 : i32
    %add3A_12 = arith.addi %add3A_6, %add3A_11 : i32
    %dma_start3A = tpu.memref_slice %arg3[%add3A_12] : memref<320000xi32, #tpu.memory_space<hbm>> -> memref<80xi32, #tpu.memory_space<hbm>>
    %dma_start3A_13 = tpu.memref_slice %arg3[%add3A_12] : memref<320000xi32, #tpu.memory_space<hbm>> -> memref<80xi32, #tpu.memory_space<hbm>>
    tpu.enqueue_dma source(%dma_start3A_13 : memref<80xi32, #tpu.memory_space<hbm>>) target(%arg8 : memref<80xi32, #tpu.memory_space<vmem>>) target_semaphore(%arg15 : memref<!tpu.dma_semaphore, #tpu.memory_space<semaphore_mem>>)
    %dma_start3A_14 = arith.constant 0 : i32
    %dma_start3A_15 = tpu.memref_slice %arg7[%dma_start3A_14] : memref<10000xi32, #tpu.memory_space<vmem>> -> memref<80xi32, #tpu.memory_space<vmem>>
    %dma_start3A_16 = arith.constant 0 : i32
    %dma_start3A_17 = arith.constant 0 : i32
    %dma_start3A_18 = tpu.memref_slice %arg4[%dma_start3A_16, %dma_start3A_17] : memref<10240x128xf32, #tpu.memory_space<hbm>> -> memref<10240x128xf32, #tpu.memory_space<hbm>>
    tpu.enqueue_indirect_dma source(%dma_start3A_18 : memref<10240x128xf32, #tpu.memory_space<hbm>>) target(%arg11 : memref<80x128xf32, #tpu.memory_space<vmem>>) offsets(%dma_start3A_15 : memref<80xi32, #tpu.memory_space<vmem>>) semaphore(%arg18 : memref<!tpu.dma_semaphore, #tpu.memory_space<semaphore_mem>>)
    %add3A_19 = arith.constant 80 : i32
    %add3A_20 = arith.addi %add3A_6, %add3A_19 : i32
    %dma_start3A_21 = tpu.memref_slice %arg3[%add3A_20] : memref<320000xi32, #tpu.memory_space<hbm>> -> memref<80xi32, #tpu.memory_space<hbm>>
    %dma_start3A_22 = tpu.memref_slice %arg3[%add3A_20] : memref<320000xi32, #tpu.memory_space<hbm>> -> memref<80xi32, #tpu.memory_space<hbm>>
    tpu.enqueue_dma source(%dma_start3A_22 : memref<80xi32, #tpu.memory_space<hbm>>) target(%arg9 : memref<80xi32, #tpu.memory_space<vmem>>) target_semaphore(%arg16 : memref<!tpu.dma_semaphore, #tpu.memory_space<semaphore_mem>>)
    %dma_start3A_23 = arith.constant 80 : i32
    %dma_start3A_24 = tpu.memref_slice %arg7[%dma_start3A_23] : memref<10000xi32, #tpu.memory_space<vmem>> -> memref<80xi32, #tpu.memory_space<vmem>>
    %dma_start3A_25 = arith.constant 0 : i32
    %dma_start3A_26 = arith.constant 0 : i32
    %dma_start3A_27 = tpu.memref_slice %arg4[%dma_start3A_25, %dma_start3A_26] : memref<10240x128xf32, #tpu.memory_space<hbm>> -> memref<10240x128xf32, #tpu.memory_space<hbm>>
    tpu.enqueue_indirect_dma source(%dma_start3A_27 : memref<10240x128xf32, #tpu.memory_space<hbm>>) target(%arg12 : memref<80x128xf32, #tpu.memory_space<vmem>>) offsets(%dma_start3A_24 : memref<80xi32, #tpu.memory_space<vmem>>) semaphore(%arg19 : memref<!tpu.dma_semaphore, #tpu.memory_space<semaphore_mem>>)
    %add3A_28 = arith.constant 160 : i32
    %add3A_29 = arith.addi %add3A_6, %add3A_28 : i32
    %dma_start3A_30 = tpu.memref_slice %arg3[%add3A_29] : memref<320000xi32, #tpu.memory_space<hbm>> -> memref<80xi32, #tpu.memory_space<hbm>>
    %dma_start3A_31 = tpu.memref_slice %arg3[%add3A_29] : memref<320000xi32, #tpu.memory_space<hbm>> -> memref<80xi32, #tpu.memory_space<hbm>>
    tpu.enqueue_dma source(%dma_start3A_31 : memref<80xi32, #tpu.memory_space<hbm>>) target(%arg10 : memref<80xi32, #tpu.memory_space<vmem>>) target_semaphore(%arg17 : memref<!tpu.dma_semaphore, #tpu.memory_space<semaphore_mem>>)
    %dma_start3A_32 = arith.constant 160 : i32
    %dma_start3A_33 = tpu.memref_slice %arg7[%dma_start3A_32] : memref<10000xi32, #tpu.memory_space<vmem>> -> memref<80xi32, #tpu.memory_space<vmem>>
    %dma_start3A_34 = arith.constant 0 : i32
    %dma_start3A_35 = arith.constant 0 : i32
    %dma_start3A_36 = tpu.memref_slice %arg4[%dma_start3A_34, %dma_start3A_35] : memref<10240x128xf32, #tpu.memory_space<hbm>> -> memref<10240x128xf32, #tpu.memory_space<hbm>>
    tpu.enqueue_indirect_dma source(%dma_start3A_36 : memref<10240x128xf32, #tpu.memory_space<hbm>>) target(%arg13 : memref<80x128xf32, #tpu.memory_space<vmem>>) offsets(%dma_start3A_33 : memref<80xi32, #tpu.memory_space<vmem>>) semaphore(%arg20 : memref<!tpu.dma_semaphore, #tpu.memory_space<semaphore_mem>>)
    %scan3A = arith.constant 0 : i32
    %scan3A_37 = arith.constant 0 : i32
    %scan3A_38 = arith.constant 40 : i32
    %scan3A_39 = arith.addi %scan3A_37, %scan3A_38 : i32
    %scan3A_40 = arith.constant 1 : i32
    scf.for %scan3A_161 = %scan3A_37 to %scan3A_39 step %scan3A_40  : i32 {
      %dma_wait3A_162 = arith.constant 0 : i32
      %dma_wait3A_163 = arith.constant 0 : i32
      %dma_wait3A_164 = tpu.memref_slice %arg4[%dma_wait3A_162, %dma_wait3A_163] : memref<10240x128xf32, #tpu.memory_space<hbm>> -> memref<80x128xf32, #tpu.memory_space<hbm>>
      %dma_wait3A_165 = arith.constant 0 : i32
      %dma_wait3A_166 = arith.constant 0 : i32
      %dma_wait3A_167 = tpu.memref_slice %arg4[%dma_wait3A_165, %dma_wait3A_166] : memref<10240x128xf32, #tpu.memory_space<hbm>> -> memref<80x128xf32, #tpu.memory_space<hbm>>
      tpu.wait_dma2 semaphore(%arg18 : memref<!tpu.dma_semaphore, #tpu.memory_space<semaphore_mem>>) src(%dma_wait3A_167 : memref<80x128xf32, #tpu.memory_space<hbm>>) dst(%arg11 : memref<80x128xf32, #tpu.memory_space<vmem>>)
      %dma_wait3A_168 = arith.constant 0 : i32
      %dma_wait3A_169 = tpu.memref_slice %arg3[%dma_wait3A_168] : memref<320000xi32, #tpu.memory_space<hbm>> -> memref<80xi32, #tpu.memory_space<hbm>>
      %dma_wait3A_170 = arith.constant 0 : i32
      %dma_wait3A_171 = tpu.memref_slice %arg3[%dma_wait3A_170] : memref<320000xi32, #tpu.memory_space<hbm>> -> memref<80xi32, #tpu.memory_space<hbm>>
      tpu.wait_dma2 semaphore(%arg15 : memref<!tpu.dma_semaphore, #tpu.memory_space<semaphore_mem>>) src(%dma_wait3A_171 : memref<80xi32, #tpu.memory_space<hbm>>) dst(%arg8 : memref<80xi32, #tpu.memory_space<vmem>>)
      %dma_start3A_172 = arith.constant 0 : i32
      %dma_start3A_173 = arith.constant 0 : i32
      %dma_start3A_174 = tpu.memref_slice %arg14[%dma_start3A_172, %dma_start3A_173] : memref<10240x128xf32, #tpu.memory_space<vmem_shared>> -> memref<10240x128xf32, #tpu.memory_space<vmem_shared>>
      tpu.enqueue_indirect_dma source(%arg11 : memref<80x128xf32, #tpu.memory_space<vmem>>) target(%dma_start3A_174 : memref<10240x128xf32, #tpu.memory_space<vmem_shared>>) offsets(%arg8 : memref<80xi32, #tpu.memory_space<vmem>>) semaphore(%arg21 : memref<!tpu.dma_semaphore, #tpu.memory_space<semaphore_mem>>) {add = true}
      %dma_wait3A_175 = arith.constant 0 : i32
      %dma_wait3A_176 = arith.constant 0 : i32
      %dma_wait3A_177 = tpu.memref_slice %arg4[%dma_wait3A_175, %dma_wait3A_176] : memref<10240x128xf32, #tpu.memory_space<hbm>> -> memref<80x128xf32, #tpu.memory_space<hbm>>
      %dma_wait3A_178 = arith.constant 0 : i32
      %dma_wait3A_179 = arith.constant 0 : i32
      %dma_wait3A_180 = tpu.memref_slice %arg4[%dma_wait3A_178, %dma_wait3A_179] : memref<10240x128xf32, #tpu.memory_space<hbm>> -> memref<80x128xf32, #tpu.memory_space<hbm>>
      tpu.wait_dma2 semaphore(%arg19 : memref<!tpu.dma_semaphore, #tpu.memory_space<semaphore_mem>>) src(%dma_wait3A_180 : memref<80x128xf32, #tpu.memory_space<hbm>>) dst(%arg12 : memref<80x128xf32, #tpu.memory_space<vmem>>)
      %dma_wait3A_181 = arith.constant 0 : i32
      %dma_wait3A_182 = tpu.memref_slice %arg3[%dma_wait3A_181] : memref<320000xi32, #tpu.memory_space<hbm>> -> memref<80xi32, #tpu.memory_space<hbm>>
      %dma_wait3A_183 = arith.constant 0 : i32
      %dma_wait3A_184 = tpu.memref_slice %arg3[%dma_wait3A_183] : memref<320000xi32, #tpu.memory_space<hbm>> -> memref<80xi32, #tpu.memory_space<hbm>>
      tpu.wait_dma2 semaphore(%arg16 : memref<!tpu.dma_semaphore, #tpu.memory_space<semaphore_mem>>) src(%dma_wait3A_184 : memref<80xi32, #tpu.memory_space<hbm>>) dst(%arg9 : memref<80xi32, #tpu.memory_space<vmem>>)
      %dma_start3A_185 = arith.constant 0 : i32
      %dma_start3A_186 = arith.constant 0 : i32
      %dma_start3A_187 = tpu.memref_slice %arg14[%dma_start3A_185, %dma_start3A_186] : memref<10240x128xf32, #tpu.memory_space<vmem_shared>> -> memref<10240x128xf32, #tpu.memory_space<vmem_shared>>
      tpu.enqueue_indirect_dma source(%arg12 : memref<80x128xf32, #tpu.memory_space<vmem>>) target(%dma_start3A_187 : memref<10240x128xf32, #tpu.memory_space<vmem_shared>>) offsets(%arg9 : memref<80xi32, #tpu.memory_space<vmem>>) semaphore(%arg22 : memref<!tpu.dma_semaphore, #tpu.memory_space<semaphore_mem>>) {add = true}
      %dma_wait3A_188 = arith.constant 0 : i32
      %dma_wait3A_189 = arith.constant 0 : i32
      %dma_wait3A_190 = tpu.memref_slice %arg4[%dma_wait3A_188, %dma_wait3A_189] : memref<10240x128xf32, #tpu.memory_space<hbm>> -> memref<80x128xf32, #tpu.memory_space<hbm>>
      %dma_wait3A_191 = arith.constant 0 : i32
      %dma_wait3A_192 = arith.constant 0 : i32
      %dma_wait3A_193 = tpu.memref_slice %arg4[%dma_wait3A_191, %dma_wait3A_192] : memref<10240x128xf32, #tpu.memory_space<hbm>> -> memref<80x128xf32, #tpu.memory_space<hbm>>
      tpu.wait_dma2 semaphore(%arg20 : memref<!tpu.dma_semaphore, #tpu.memory_space<semaphore_mem>>) src(%dma_wait3A_193 : memref<80x128xf32, #tpu.memory_space<hbm>>) dst(%arg13 : memref<80x128xf32, #tpu.memory_space<vmem>>)
      %dma_wait3A_194 = arith.constant 0 : i32
      %dma_wait3A_195 = tpu.memref_slice %arg3[%dma_wait3A_194] : memref<320000xi32, #tpu.memory_space<hbm>> -> memref<80xi32, #tpu.memory_space<hbm>>
      %dma_wait3A_196 = arith.constant 0 : i32
      %dma_wait3A_197 = tpu.memref_slice %arg3[%dma_wait3A_196] : memref<320000xi32, #tpu.memory_space<hbm>> -> memref<80xi32, #tpu.memory_space<hbm>>
      tpu.wait_dma2 semaphore(%arg17 : memref<!tpu.dma_semaphore, #tpu.memory_space<semaphore_mem>>) src(%dma_wait3A_197 : memref<80xi32, #tpu.memory_space<hbm>>) dst(%arg10 : memref<80xi32, #tpu.memory_space<vmem>>)
      %dma_start3A_198 = arith.constant 0 : i32
      %dma_start3A_199 = arith.constant 0 : i32
      %dma_start3A_200 = tpu.memref_slice %arg14[%dma_start3A_198, %dma_start3A_199] : memref<10240x128xf32, #tpu.memory_space<vmem_shared>> -> memref<10240x128xf32, #tpu.memory_space<vmem_shared>>
      tpu.enqueue_indirect_dma source(%arg13 : memref<80x128xf32, #tpu.memory_space<vmem>>) target(%dma_start3A_200 : memref<10240x128xf32, #tpu.memory_space<vmem_shared>>) offsets(%arg10 : memref<80xi32, #tpu.memory_space<vmem>>) semaphore(%arg23 : memref<!tpu.dma_semaphore, #tpu.memory_space<semaphore_mem>>) {add = true}
      %dma_wait3A_201 = arith.constant 0 : i32
      %dma_wait3A_202 = arith.constant 0 : i32
      %dma_wait3A_203 = tpu.memref_slice %arg4[%dma_wait3A_201, %dma_wait3A_202] : memref<10240x128xf32, #tpu.memory_space<hbm>> -> memref<80x128xf32, #tpu.memory_space<hbm>>
      %dma_wait3A_204 = arith.constant 0 : i32
      %dma_wait3A_205 = arith.constant 0 : i32
      %dma_wait3A_206 = tpu.memref_slice %arg4[%dma_wait3A_204, %dma_wait3A_205] : memref<10240x128xf32, #tpu.memory_space<hbm>> -> memref<80x128xf32, #tpu.memory_space<hbm>>
      tpu.wait_dma2 semaphore(%arg21 : memref<!tpu.dma_semaphore, #tpu.memory_space<semaphore_mem>>) src(%dma_wait3A_206 : memref<80x128xf32, #tpu.memory_space<hbm>>) dst(%arg11 : memref<80x128xf32, #tpu.memory_space<vmem>>)
      %add3A_207 = arith.constant 1 : i32
      %add3A_208 = arith.addi %scan3A_161, %add3A_207 : i32
      %mul3A_209 = arith.constant 3 : i32
      %mul3A_210 = arith.muli %add3A_208, %mul3A_209 : i32
      %add3A_211 = arith.constant 0 : i32
      %add3A_212 = arith.addi %mul3A_210, %add3A_211 : i32
      %mul3A_213 = arith.constant 80 : i32
      %mul3A_214 = arith.muli %add3A_212, %mul3A_213 : i32
      %add3A_215 = arith.addi %add3A_6, %mul3A_214 : i32
      %dma_start3A_216 = tpu.memref_slice %arg3[%add3A_215] : memref<320000xi32, #tpu.memory_space<hbm>> -> memref<80xi32, #tpu.memory_space<hbm>>
      %dma_start3A_217 = tpu.memref_slice %arg3[%add3A_215] : memref<320000xi32, #tpu.memory_space<hbm>> -> memref<80xi32, #tpu.memory_space<hbm>>
      tpu.enqueue_dma source(%dma_start3A_217 : memref<80xi32, #tpu.memory_space<hbm>>) target(%arg8 : memref<80xi32, #tpu.memory_space<vmem>>) target_semaphore(%arg15 : memref<!tpu.dma_semaphore, #tpu.memory_space<semaphore_mem>>)
      %dma_start3A_218 = tpu.memref_slice %arg7[%mul3A_214] : memref<10000xi32, #tpu.memory_space<vmem>> -> memref<80xi32, #tpu.memory_space<vmem>>
      %dma_start3A_219 = arith.constant 0 : i32
      %dma_start3A_220 = arith.constant 0 : i32
      %dma_start3A_221 = tpu.memref_slice %arg4[%dma_start3A_219, %dma_start3A_220] : memref<10240x128xf32, #tpu.memory_space<hbm>> -> memref<10240x128xf32, #tpu.memory_space<hbm>>
      tpu.enqueue_indirect_dma source(%dma_start3A_221 : memref<10240x128xf32, #tpu.memory_space<hbm>>) target(%arg11 : memref<80x128xf32, #tpu.memory_space<vmem>>) offsets(%dma_start3A_218 : memref<80xi32, #tpu.memory_space<vmem>>) semaphore(%arg18 : memref<!tpu.dma_semaphore, #tpu.memory_space<semaphore_mem>>)
      %dma_wait3A_222 = arith.constant 0 : i32
      %dma_wait3A_223 = arith.constant 0 : i32
      %dma_wait3A_224 = tpu.memref_slice %arg4[%dma_wait3A_222, %dma_wait3A_223] : memref<10240x128xf32, #tpu.memory_space<hbm>> -> memref<80x128xf32, #tpu.memory_space<hbm>>
      %dma_wait3A_225 = arith.constant 0 : i32
      %dma_wait3A_226 = arith.constant 0 : i32
      %dma_wait3A_227 = tpu.memref_slice %arg4[%dma_wait3A_225, %dma_wait3A_226] : memref<10240x128xf32, #tpu.memory_space<hbm>> -> memref<80x128xf32, #tpu.memory_space<hbm>>
      tpu.wait_dma2 semaphore(%arg22 : memref<!tpu.dma_semaphore, #tpu.memory_space<semaphore_mem>>) src(%dma_wait3A_227 : memref<80x128xf32, #tpu.memory_space<hbm>>) dst(%arg12 : memref<80x128xf32, #tpu.memory_space<vmem>>)
      %add3A_228 = arith.constant 1 : i32
      %add3A_229 = arith.addi %scan3A_161, %add3A_228 : i32
      %mul3A_230 = arith.constant 3 : i32
      %mul3A_231 = arith.muli %add3A_229, %mul3A_230 : i32
      %add3A_232 = arith.constant 1 : i32
      %add3A_233 = arith.addi %mul3A_231, %add3A_232 : i32
      %mul3A_234 = arith.constant 80 : i32
      %mul3A_235 = arith.muli %add3A_233, %mul3A_234 : i32
      %add3A_236 = arith.addi %add3A_6, %mul3A_235 : i32
      %dma_start3A_237 = tpu.memref_slice %arg3[%add3A_236] : memref<320000xi32, #tpu.memory_space<hbm>> -> memref<80xi32, #tpu.memory_space<hbm>>
      %dma_start3A_238 = tpu.memref_slice %arg3[%add3A_236] : memref<320000xi32, #tpu.memory_space<hbm>> -> memref<80xi32, #tpu.memory_space<hbm>>
      tpu.enqueue_dma source(%dma_start3A_238 : memref<80xi32, #tpu.memory_space<hbm>>) target(%arg9 : memref<80xi32, #tpu.memory_space<vmem>>) target_semaphore(%arg16 : memref<!tpu.dma_semaphore, #tpu.memory_space<semaphore_mem>>)
      %dma_start3A_239 = tpu.memref_slice %arg7[%mul3A_235] : memref<10000xi32, #tpu.memory_space<vmem>> -> memref<80xi32, #tpu.memory_space<vmem>>
      %dma_start3A_240 = arith.constant 0 : i32
      %dma_start3A_241 = arith.constant 0 : i32
      %dma_start3A_242 = tpu.memref_slice %arg4[%dma_start3A_240, %dma_start3A_241] : memref<10240x128xf32, #tpu.memory_space<hbm>> -> memref<10240x128xf32, #tpu.memory_space<hbm>>
      tpu.enqueue_indirect_dma source(%dma_start3A_242 : memref<10240x128xf32, #tpu.memory_space<hbm>>) target(%arg12 : memref<80x128xf32, #tpu.memory_space<vmem>>) offsets(%dma_start3A_239 : memref<80xi32, #tpu.memory_space<vmem>>) semaphore(%arg19 : memref<!tpu.dma_semaphore, #tpu.memory_space<semaphore_mem>>)
      %dma_wait3A_243 = arith.constant 0 : i32
      %dma_wait3A_244 = arith.constant 0 : i32
      %dma_wait3A_245 = tpu.memref_slice %arg4[%dma_wait3A_243, %dma_wait3A_244] : memref<10240x128xf32, #tpu.memory_space<hbm>> -> memref<80x128xf32, #tpu.memory_space<hbm>>
      %dma_wait3A_246 = arith.constant 0 : i32
      %dma_wait3A_247 = arith.constant 0 : i32
      %dma_wait3A_248 = tpu.memref_slice %arg4[%dma_wait3A_246, %dma_wait3A_247] : memref<10240x128xf32, #tpu.memory_space<hbm>> -> memref<80x128xf32, #tpu.memory_space<hbm>>
      tpu.wait_dma2 semaphore(%arg23 : memref<!tpu.dma_semaphore, #tpu.memory_space<semaphore_mem>>) src(%dma_wait3A_248 : memref<80x128xf32, #tpu.memory_space<hbm>>) dst(%arg13 : memref<80x128xf32, #tpu.memory_space<vmem>>)
      %add3A_249 = arith.constant 1 : i32
      %add3A_250 = arith.addi %scan3A_161, %add3A_249 : i32
      %mul3A_251 = arith.constant 3 : i32
      %mul3A_252 = arith.muli %add3A_250, %mul3A_251 : i32
      %add3A_253 = arith.constant 2 : i32
      %add3A_254 = arith.addi %mul3A_252, %add3A_253 : i32
      %mul3A_255 = arith.constant 80 : i32
      %mul3A_256 = arith.muli %add3A_254, %mul3A_255 : i32
      %add3A_257 = arith.addi %add3A_6, %mul3A_256 : i32
      %dma_start3A_258 = tpu.memref_slice %arg3[%add3A_257] : memref<320000xi32, #tpu.memory_space<hbm>> -> memref<80xi32, #tpu.memory_space<hbm>>
      %dma_start3A_259 = tpu.memref_slice %arg3[%add3A_257] : memref<320000xi32, #tpu.memory_space<hbm>> -> memref<80xi32, #tpu.memory_space<hbm>>
      tpu.enqueue_dma source(%dma_start3A_259 : memref<80xi32, #tpu.memory_space<hbm>>) target(%arg10 : memref<80xi32, #tpu.memory_space<vmem>>) target_semaphore(%arg17 : memref<!tpu.dma_semaphore, #tpu.memory_space<semaphore_mem>>)
      %dma_start3A_260 = tpu.memref_slice %arg7[%mul3A_256] : memref<10000xi32, #tpu.memory_space<vmem>> -> memref<80xi32, #tpu.memory_space<vmem>>
      %dma_start3A_261 = arith.constant 0 : i32
      %dma_start3A_262 = arith.constant 0 : i32
      %dma_start3A_263 = tpu.memref_slice %arg4[%dma_start3A_261, %dma_start3A_262] : memref<10240x128xf32, #tpu.memory_space<hbm>> -> memref<10240x128xf32, #tpu.memory_space<hbm>>
      tpu.enqueue_indirect_dma source(%dma_start3A_263 : memref<10240x128xf32, #tpu.memory_space<hbm>>) target(%arg13 : memref<80x128xf32, #tpu.memory_space<vmem>>) offsets(%dma_start3A_260 : memref<80xi32, #tpu.memory_space<vmem>>) semaphore(%arg20 : memref<!tpu.dma_semaphore, #tpu.memory_space<semaphore_mem>>)
    }
    %scan3A_41 = arith.constant 40 : i32
    %dma_wait3A = arith.constant 0 : i32
    %dma_wait3A_42 = arith.constant 0 : i32
    %dma_wait3A_43 = tpu.memref_slice %arg4[%dma_wait3A, %dma_wait3A_42] : memref<10240x128xf32, #tpu.memory_space<hbm>> -> memref<80x128xf32, #tpu.memory_space<hbm>>
    %dma_wait3A_44 = arith.constant 0 : i32
    %dma_wait3A_45 = arith.constant 0 : i32
    %dma_wait3A_46 = tpu.memref_slice %arg4[%dma_wait3A_44, %dma_wait3A_45] : memref<10240x128xf32, #tpu.memory_space<hbm>> -> memref<80x128xf32, #tpu.memory_space<hbm>>
    tpu.wait_dma2 semaphore(%arg18 : memref<!tpu.dma_semaphore, #tpu.memory_space<semaphore_mem>>) src(%dma_wait3A_46 : memref<80x128xf32, #tpu.memory_space<hbm>>) dst(%arg11 : memref<80x128xf32, #tpu.memory_space<vmem>>)
    %dma_wait3A_47 = arith.constant 0 : i32
    %dma_wait3A_48 = tpu.memref_slice %arg3[%dma_wait3A_47] : memref<320000xi32, #tpu.memory_space<hbm>> -> memref<80xi32, #tpu.memory_space<hbm>>
    %dma_wait3A_49 = arith.constant 0 : i32
    %dma_wait3A_50 = tpu.memref_slice %arg3[%dma_wait3A_49] : memref<320000xi32, #tpu.memory_space<hbm>> -> memref<80xi32, #tpu.memory_space<hbm>>
    tpu.wait_dma2 semaphore(%arg15 : memref<!tpu.dma_semaphore, #tpu.memory_space<semaphore_mem>>) src(%dma_wait3A_50 : memref<80xi32, #tpu.memory_space<hbm>>) dst(%arg8 : memref<80xi32, #tpu.memory_space<vmem>>)
    %dma_start3A_51 = arith.constant 0 : i32
    %dma_start3A_52 = arith.constant 0 : i32
    %dma_start3A_53 = tpu.memref_slice %arg14[%dma_start3A_51, %dma_start3A_52] : memref<10240x128xf32, #tpu.memory_space<vmem_shared>> -> memref<10240x128xf32, #tpu.memory_space<vmem_shared>>
    tpu.enqueue_indirect_dma source(%arg11 : memref<80x128xf32, #tpu.memory_space<vmem>>) target(%dma_start3A_53 : memref<10240x128xf32, #tpu.memory_space<vmem_shared>>) offsets(%arg8 : memref<80xi32, #tpu.memory_space<vmem>>) semaphore(%arg21 : memref<!tpu.dma_semaphore, #tpu.memory_space<semaphore_mem>>) {add = true}
    %dma_wait3A_54 = arith.constant 0 : i32
    %dma_wait3A_55 = arith.constant 0 : i32
    %dma_wait3A_56 = tpu.memref_slice %arg4[%dma_wait3A_54, %dma_wait3A_55] : memref<10240x128xf32, #tpu.memory_space<hbm>> -> memref<80x128xf32, #tpu.memory_space<hbm>>
    %dma_wait3A_57 = arith.constant 0 : i32
    %dma_wait3A_58 = arith.constant 0 : i32
    %dma_wait3A_59 = tpu.memref_slice %arg4[%dma_wait3A_57, %dma_wait3A_58] : memref<10240x128xf32, #tpu.memory_space<hbm>> -> memref<80x128xf32, #tpu.memory_space<hbm>>
    tpu.wait_dma2 semaphore(%arg19 : memref<!tpu.dma_semaphore, #tpu.memory_space<semaphore_mem>>) src(%dma_wait3A_59 : memref<80x128xf32, #tpu.memory_space<hbm>>) dst(%arg12 : memref<80x128xf32, #tpu.memory_space<vmem>>)
    %dma_wait3A_60 = arith.constant 0 : i32
    %dma_wait3A_61 = tpu.memref_slice %arg3[%dma_wait3A_60] : memref<320000xi32, #tpu.memory_space<hbm>> -> memref<80xi32, #tpu.memory_space<hbm>>
    %dma_wait3A_62 = arith.constant 0 : i32
    %dma_wait3A_63 = tpu.memref_slice %arg3[%dma_wait3A_62] : memref<320000xi32, #tpu.memory_space<hbm>> -> memref<80xi32, #tpu.memory_space<hbm>>
    tpu.wait_dma2 semaphore(%arg16 : memref<!tpu.dma_semaphore, #tpu.memory_space<semaphore_mem>>) src(%dma_wait3A_63 : memref<80xi32, #tpu.memory_space<hbm>>) dst(%arg9 : memref<80xi32, #tpu.memory_space<vmem>>)
    %dma_start3A_64 = arith.constant 0 : i32
    %dma_start3A_65 = arith.constant 0 : i32
    %dma_start3A_66 = tpu.memref_slice %arg14[%dma_start3A_64, %dma_start3A_65] : memref<10240x128xf32, #tpu.memory_space<vmem_shared>> -> memref<10240x128xf32, #tpu.memory_space<vmem_shared>>
    tpu.enqueue_indirect_dma source(%arg12 : memref<80x128xf32, #tpu.memory_space<vmem>>) target(%dma_start3A_66 : memref<10240x128xf32, #tpu.memory_space<vmem_shared>>) offsets(%arg9 : memref<80xi32, #tpu.memory_space<vmem>>) semaphore(%arg22 : memref<!tpu.dma_semaphore, #tpu.memory_space<semaphore_mem>>) {add = true}
    %dma_wait3A_67 = arith.constant 0 : i32
    %dma_wait3A_68 = arith.constant 0 : i32
    %dma_wait3A_69 = tpu.memref_slice %arg4[%dma_wait3A_67, %dma_wait3A_68] : memref<10240x128xf32, #tpu.memory_space<hbm>> -> memref<80x128xf32, #tpu.memory_space<hbm>>
    %dma_wait3A_70 = arith.constant 0 : i32
    %dma_wait3A_71 = arith.constant 0 : i32
    %dma_wait3A_72 = tpu.memref_slice %arg4[%dma_wait3A_70, %dma_wait3A_71] : memref<10240x128xf32, #tpu.memory_space<hbm>> -> memref<80x128xf32, #tpu.memory_space<hbm>>
    tpu.wait_dma2 semaphore(%arg20 : memref<!tpu.dma_semaphore, #tpu.memory_space<semaphore_mem>>) src(%dma_wait3A_72 : memref<80x128xf32, #tpu.memory_space<hbm>>) dst(%arg13 : memref<80x128xf32, #tpu.memory_space<vmem>>)
    %dma_wait3A_73 = arith.constant 0 : i32
    %dma_wait3A_74 = tpu.memref_slice %arg3[%dma_wait3A_73] : memref<320000xi32, #tpu.memory_space<hbm>> -> memref<80xi32, #tpu.memory_space<hbm>>
    %dma_wait3A_75 = arith.constant 0 : i32
    %dma_wait3A_76 = tpu.memref_slice %arg3[%dma_wait3A_75] : memref<320000xi32, #tpu.memory_space<hbm>> -> memref<80xi32, #tpu.memory_space<hbm>>
    tpu.wait_dma2 semaphore(%arg17 : memref<!tpu.dma_semaphore, #tpu.memory_space<semaphore_mem>>) src(%dma_wait3A_76 : memref<80xi32, #tpu.memory_space<hbm>>) dst(%arg10 : memref<80xi32, #tpu.memory_space<vmem>>)
    %dma_start3A_77 = arith.constant 0 : i32
    %dma_start3A_78 = arith.constant 0 : i32
    %dma_start3A_79 = tpu.memref_slice %arg14[%dma_start3A_77, %dma_start3A_78] : memref<10240x128xf32, #tpu.memory_space<vmem_shared>> -> memref<10240x128xf32, #tpu.memory_space<vmem_shared>>
    tpu.enqueue_indirect_dma source(%arg13 : memref<80x128xf32, #tpu.memory_space<vmem>>) target(%dma_start3A_79 : memref<10240x128xf32, #tpu.memory_space<vmem_shared>>) offsets(%arg10 : memref<80xi32, #tpu.memory_space<vmem>>) semaphore(%arg23 : memref<!tpu.dma_semaphore, #tpu.memory_space<semaphore_mem>>) {add = true}
    %dma_wait3A_80 = arith.constant 0 : i32
    %dma_wait3A_81 = arith.constant 0 : i32
    %dma_wait3A_82 = tpu.memref_slice %arg4[%dma_wait3A_80, %dma_wait3A_81] : memref<10240x128xf32, #tpu.memory_space<hbm>> -> memref<80x128xf32, #tpu.memory_space<hbm>>
    %dma_wait3A_83 = arith.constant 0 : i32
    %dma_wait3A_84 = arith.constant 0 : i32
    %dma_wait3A_85 = tpu.memref_slice %arg4[%dma_wait3A_83, %dma_wait3A_84] : memref<10240x128xf32, #tpu.memory_space<hbm>> -> memref<80x128xf32, #tpu.memory_space<hbm>>
    tpu.wait_dma2 semaphore(%arg21 : memref<!tpu.dma_semaphore, #tpu.memory_space<semaphore_mem>>) src(%dma_wait3A_85 : memref<80x128xf32, #tpu.memory_space<hbm>>) dst(%arg11 : memref<80x128xf32, #tpu.memory_space<vmem>>)
    %dma_wait3A_86 = arith.constant 0 : i32
    %dma_wait3A_87 = arith.constant 0 : i32
    %dma_wait3A_88 = tpu.memref_slice %arg4[%dma_wait3A_86, %dma_wait3A_87] : memref<10240x128xf32, #tpu.memory_space<hbm>> -> memref<80x128xf32, #tpu.memory_space<hbm>>
    %dma_wait3A_89 = arith.constant 0 : i32
    %dma_wait3A_90 = arith.constant 0 : i32
    %dma_wait3A_91 = tpu.memref_slice %arg4[%dma_wait3A_89, %dma_wait3A_90] : memref<10240x128xf32, #tpu.memory_space<hbm>> -> memref<80x128xf32, #tpu.memory_space<hbm>>
    tpu.wait_dma2 semaphore(%arg22 : memref<!tpu.dma_semaphore, #tpu.memory_space<semaphore_mem>>) src(%dma_wait3A_91 : memref<80x128xf32, #tpu.memory_space<hbm>>) dst(%arg12 : memref<80x128xf32, #tpu.memory_space<vmem>>)
    %dma_wait3A_92 = arith.constant 0 : i32
    %dma_wait3A_93 = arith.constant 0 : i32
    %dma_wait3A_94 = tpu.memref_slice %arg4[%dma_wait3A_92, %dma_wait3A_93] : memref<10240x128xf32, #tpu.memory_space<hbm>> -> memref<80x128xf32, #tpu.memory_space<hbm>>
    %dma_wait3A_95 = arith.constant 0 : i32
    %dma_wait3A_96 = arith.constant 0 : i32
    %dma_wait3A_97 = tpu.memref_slice %arg4[%dma_wait3A_95, %dma_wait3A_96] : memref<10240x128xf32, #tpu.memory_space<hbm>> -> memref<80x128xf32, #tpu.memory_space<hbm>>
    tpu.wait_dma2 semaphore(%arg23 : memref<!tpu.dma_semaphore, #tpu.memory_space<semaphore_mem>>) src(%dma_wait3A_97 : memref<80x128xf32, #tpu.memory_space<hbm>>) dst(%arg13 : memref<80x128xf32, #tpu.memory_space<vmem>>)
    %add3A_98 = arith.constant 9840 : i32
    %add3A_99 = arith.addi %add3A_6, %add3A_98 : i32
    %dma_start3A_100 = tpu.memref_slice %arg3[%add3A_99] : memref<320000xi32, #tpu.memory_space<hbm>> -> memref<80xi32, #tpu.memory_space<hbm>>
    %dma_start3A_101 = tpu.memref_slice %arg3[%add3A_99] : memref<320000xi32, #tpu.memory_space<hbm>> -> memref<80xi32, #tpu.memory_space<hbm>>
    tpu.enqueue_dma source(%dma_start3A_101 : memref<80xi32, #tpu.memory_space<hbm>>) target(%arg8 : memref<80xi32, #tpu.memory_space<vmem>>) target_semaphore(%arg15 : memref<!tpu.dma_semaphore, #tpu.memory_space<semaphore_mem>>)
    %dma_start3A_102 = arith.constant 9840 : i32
    %dma_start3A_103 = tpu.memref_slice %arg7[%dma_start3A_102] : memref<10000xi32, #tpu.memory_space<vmem>> -> memref<80xi32, #tpu.memory_space<vmem>>
    %dma_start3A_104 = arith.constant 0 : i32
    %dma_start3A_105 = arith.constant 0 : i32
    %dma_start3A_106 = tpu.memref_slice %arg4[%dma_start3A_104, %dma_start3A_105] : memref<10240x128xf32, #tpu.memory_space<hbm>> -> memref<10240x128xf32, #tpu.memory_space<hbm>>
    tpu.enqueue_indirect_dma source(%dma_start3A_106 : memref<10240x128xf32, #tpu.memory_space<hbm>>) target(%arg11 : memref<80x128xf32, #tpu.memory_space<vmem>>) offsets(%dma_start3A_103 : memref<80xi32, #tpu.memory_space<vmem>>) semaphore(%arg18 : memref<!tpu.dma_semaphore, #tpu.memory_space<semaphore_mem>>)
    %dma_wait3A_107 = arith.constant 0 : i32
    %dma_wait3A_108 = arith.constant 0 : i32
    %dma_wait3A_109 = tpu.memref_slice %arg4[%dma_wait3A_107, %dma_wait3A_108] : memref<10240x128xf32, #tpu.memory_space<hbm>> -> memref<80x128xf32, #tpu.memory_space<hbm>>
    %dma_wait3A_110 = arith.constant 0 : i32
    %dma_wait3A_111 = arith.constant 0 : i32
    %dma_wait3A_112 = tpu.memref_slice %arg4[%dma_wait3A_110, %dma_wait3A_111] : memref<10240x128xf32, #tpu.memory_space<hbm>> -> memref<80x128xf32, #tpu.memory_space<hbm>>
    tpu.wait_dma2 semaphore(%arg18 : memref<!tpu.dma_semaphore, #tpu.memory_space<semaphore_mem>>) src(%dma_wait3A_112 : memref<80x128xf32, #tpu.memory_space<hbm>>) dst(%arg11 : memref<80x128xf32, #tpu.memory_space<vmem>>)
    %dma_wait3A_113 = arith.constant 0 : i32
    %dma_wait3A_114 = tpu.memref_slice %arg3[%dma_wait3A_113] : memref<320000xi32, #tpu.memory_space<hbm>> -> memref<80xi32, #tpu.memory_space<hbm>>
    %dma_wait3A_115 = arith.constant 0 : i32
    %dma_wait3A_116 = tpu.memref_slice %arg3[%dma_wait3A_115] : memref<320000xi32, #tpu.memory_space<hbm>> -> memref<80xi32, #tpu.memory_space<hbm>>
    tpu.wait_dma2 semaphore(%arg15 : memref<!tpu.dma_semaphore, #tpu.memory_space<semaphore_mem>>) src(%dma_wait3A_116 : memref<80xi32, #tpu.memory_space<hbm>>) dst(%arg8 : memref<80xi32, #tpu.memory_space<vmem>>)
    %dma_start3A_117 = arith.constant 0 : i32
    %dma_start3A_118 = arith.constant 0 : i32
    %dma_start3A_119 = tpu.memref_slice %arg14[%dma_start3A_117, %dma_start3A_118] : memref<10240x128xf32, #tpu.memory_space<vmem_shared>> -> memref<10240x128xf32, #tpu.memory_space<vmem_shared>>
    tpu.enqueue_indirect_dma source(%arg11 : memref<80x128xf32, #tpu.memory_space<vmem>>) target(%dma_start3A_119 : memref<10240x128xf32, #tpu.memory_space<vmem_shared>>) offsets(%arg8 : memref<80xi32, #tpu.memory_space<vmem>>) semaphore(%arg21 : memref<!tpu.dma_semaphore, #tpu.memory_space<semaphore_mem>>) {add = true}
    %dma_wait3A_120 = arith.constant 0 : i32
    %dma_wait3A_121 = arith.constant 0 : i32
    %dma_wait3A_122 = tpu.memref_slice %arg4[%dma_wait3A_120, %dma_wait3A_121] : memref<10240x128xf32, #tpu.memory_space<hbm>> -> memref<80x128xf32, #tpu.memory_space<hbm>>
    %dma_wait3A_123 = arith.constant 0 : i32
    %dma_wait3A_124 = arith.constant 0 : i32
    %dma_wait3A_125 = tpu.memref_slice %arg4[%dma_wait3A_123, %dma_wait3A_124] : memref<10240x128xf32, #tpu.memory_space<hbm>> -> memref<80x128xf32, #tpu.memory_space<hbm>>
    tpu.wait_dma2 semaphore(%arg21 : memref<!tpu.dma_semaphore, #tpu.memory_space<semaphore_mem>>) src(%dma_wait3A_125 : memref<80x128xf32, #tpu.memory_space<hbm>>) dst(%arg11 : memref<80x128xf32, #tpu.memory_space<vmem>>)
    %add3A_126 = arith.constant 9920 : i32
    %add3A_127 = arith.addi %add3A_6, %add3A_126 : i32
    %dma_start3A_128 = tpu.memref_slice %arg3[%add3A_127] : memref<320000xi32, #tpu.memory_space<hbm>> -> memref<80xi32, #tpu.memory_space<hbm>>
    %dma_start3A_129 = tpu.memref_slice %arg3[%add3A_127] : memref<320000xi32, #tpu.memory_space<hbm>> -> memref<80xi32, #tpu.memory_space<hbm>>
    tpu.enqueue_dma source(%dma_start3A_129 : memref<80xi32, #tpu.memory_space<hbm>>) target(%arg9 : memref<80xi32, #tpu.memory_space<vmem>>) target_semaphore(%arg16 : memref<!tpu.dma_semaphore, #tpu.memory_space<semaphore_mem>>)
    %dma_start3A_130 = arith.constant 9920 : i32
    %dma_start3A_131 = tpu.memref_slice %arg7[%dma_start3A_130] : memref<10000xi32, #tpu.memory_space<vmem>> -> memref<80xi32, #tpu.memory_space<vmem>>
    %dma_start3A_132 = arith.constant 0 : i32
    %dma_start3A_133 = arith.constant 0 : i32
    %dma_start3A_134 = tpu.memref_slice %arg4[%dma_start3A_132, %dma_start3A_133] : memref<10240x128xf32, #tpu.memory_space<hbm>> -> memref<10240x128xf32, #tpu.memory_space<hbm>>
    tpu.enqueue_indirect_dma source(%dma_start3A_134 : memref<10240x128xf32, #tpu.memory_space<hbm>>) target(%arg12 : memref<80x128xf32, #tpu.memory_space<vmem>>) offsets(%dma_start3A_131 : memref<80xi32, #tpu.memory_space<vmem>>) semaphore(%arg19 : memref<!tpu.dma_semaphore, #tpu.memory_space<semaphore_mem>>)
    %dma_wait3A_135 = arith.constant 0 : i32
    %dma_wait3A_136 = arith.constant 0 : i32
    %dma_wait3A_137 = tpu.memref_slice %arg4[%dma_wait3A_135, %dma_wait3A_136] : memref<10240x128xf32, #tpu.memory_space<hbm>> -> memref<80x128xf32, #tpu.memory_space<hbm>>
    %dma_wait3A_138 = arith.constant 0 : i32
    %dma_wait3A_139 = arith.constant 0 : i32
    %dma_wait3A_140 = tpu.memref_slice %arg4[%dma_wait3A_138, %dma_wait3A_139] : memref<10240x128xf32, #tpu.memory_space<hbm>> -> memref<80x128xf32, #tpu.memory_space<hbm>>
    tpu.wait_dma2 semaphore(%arg19 : memref<!tpu.dma_semaphore, #tpu.memory_space<semaphore_mem>>) src(%dma_wait3A_140 : memref<80x128xf32, #tpu.memory_space<hbm>>) dst(%arg12 : memref<80x128xf32, #tpu.memory_space<vmem>>)
    %dma_wait3A_141 = arith.constant 0 : i32
    %dma_wait3A_142 = tpu.memref_slice %arg3[%dma_wait3A_141] : memref<320000xi32, #tpu.memory_space<hbm>> -> memref<80xi32, #tpu.memory_space<hbm>>
    %dma_wait3A_143 = arith.constant 0 : i32
    %dma_wait3A_144 = tpu.memref_slice %arg3[%dma_wait3A_143] : memref<320000xi32, #tpu.memory_space<hbm>> -> memref<80xi32, #tpu.memory_space<hbm>>
    tpu.wait_dma2 semaphore(%arg16 : memref<!tpu.dma_semaphore, #tpu.memory_space<semaphore_mem>>) src(%dma_wait3A_144 : memref<80xi32, #tpu.memory_space<hbm>>) dst(%arg9 : memref<80xi32, #tpu.memory_space<vmem>>)
    %dma_start3A_145 = arith.constant 0 : i32
    %dma_start3A_146 = arith.constant 0 : i32
    %dma_start3A_147 = tpu.memref_slice %arg14[%dma_start3A_145, %dma_start3A_146] : memref<10240x128xf32, #tpu.memory_space<vmem_shared>> -> memref<10240x128xf32, #tpu.memory_space<vmem_shared>>
    tpu.enqueue_indirect_dma source(%arg12 : memref<80x128xf32, #tpu.memory_space<vmem>>) target(%dma_start3A_147 : memref<10240x128xf32, #tpu.memory_space<vmem_shared>>) offsets(%arg9 : memref<80xi32, #tpu.memory_space<vmem>>) semaphore(%arg22 : memref<!tpu.dma_semaphore, #tpu.memory_space<semaphore_mem>>) {add = true}
    %dma_wait3A_148 = arith.constant 0 : i32
    %dma_wait3A_149 = arith.constant 0 : i32
    %dma_wait3A_150 = tpu.memref_slice %arg4[%dma_wait3A_148, %dma_wait3A_149] : memref<10240x128xf32, #tpu.memory_space<hbm>> -> memref<80x128xf32, #tpu.memory_space<hbm>>
    %dma_wait3A_151 = arith.constant 0 : i32
    %dma_wait3A_152 = arith.constant 0 : i32
    %dma_wait3A_153 = tpu.memref_slice %arg4[%dma_wait3A_151, %dma_wait3A_152] : memref<10240x128xf32, #tpu.memory_space<hbm>> -> memref<80x128xf32, #tpu.memory_space<hbm>>
    tpu.wait_dma2 semaphore(%arg22 : memref<!tpu.dma_semaphore, #tpu.memory_space<semaphore_mem>>) src(%dma_wait3A_153 : memref<80x128xf32, #tpu.memory_space<hbm>>) dst(%arg12 : memref<80x128xf32, #tpu.memory_space<vmem>>)
    %lt3A = arith.constant 0 : i32
    %lt3A_154 = arith.cmpi slt, %arg1, %lt3A : i32
    %convert_element_type3A = arith.extui %lt3A_154 : i1 to i32
    %cond3A = arith.constant 0 : i32
    %cond3A_155 = arith.cmpi ne, %convert_element_type3A, %cond3A : i32
    scf.if %cond3A_155 {
      %add3A_161 = arith.constant 10000 : i32
      %add3A_162 = arith.addi %add3A_6, %add3A_161 : i32
      %dma_start3A_163 = tpu.memref_slice %arg3[%add3A_162] : memref<320000xi32, #tpu.memory_space<hbm>> -> memref<80xi32, #tpu.memory_space<hbm>>
      %dma_start3A_164 = tpu.memref_slice %arg3[%add3A_162] : memref<320000xi32, #tpu.memory_space<hbm>> -> memref<80xi32, #tpu.memory_space<hbm>>
      tpu.enqueue_dma source(%dma_start3A_164 : memref<80xi32, #tpu.memory_space<hbm>>) target(%arg8 : memref<80xi32, #tpu.memory_space<vmem>>) target_semaphore(%arg15 : memref<!tpu.dma_semaphore, #tpu.memory_space<semaphore_mem>>)
      "tpu.region"() ({
        %run_scoped3A = tpu.sem_alloc : memref<!tpu.dma_semaphore, #tpu.memory_space<semaphore_mem>>
        %dma_start3A_189 = arith.constant 0 : i32
        %dma_start3A_190 = tpu.memref_slice %arg7[%dma_start3A_189] : memref<10000xi32, #tpu.memory_space<vmem>> -> memref<80xi32, #tpu.memory_space<vmem>>
        %dma_start3A_191 = tpu.memref_slice %arg2[%add3A_162] : memref<320000xi32, #tpu.memory_space<hbm>> -> memref<80xi32, #tpu.memory_space<hbm>>
        %dma_start3A_192 = arith.constant 0 : i32
        %dma_start3A_193 = tpu.memref_slice %arg7[%dma_start3A_192] : memref<10000xi32, #tpu.memory_space<vmem>> -> memref<80xi32, #tpu.memory_space<vmem>>
        %dma_start3A_194 = tpu.memref_slice %arg2[%add3A_162] : memref<320000xi32, #tpu.memory_space<hbm>> -> memref<80xi32, #tpu.memory_space<hbm>>
        tpu.enqueue_dma source(%dma_start3A_194 : memref<80xi32, #tpu.memory_space<hbm>>) target(%dma_start3A_193 : memref<80xi32, #tpu.memory_space<vmem>>) target_semaphore(%run_scoped3A : memref<!tpu.dma_semaphore, #tpu.memory_space<semaphore_mem>>)
        %dma_wait3A_195 = arith.constant 0 : i32
        %dma_wait3A_196 = tpu.memref_slice %arg7[%dma_wait3A_195] : memref<10000xi32, #tpu.memory_space<vmem>> -> memref<80xi32, #tpu.memory_space<vmem>>
        %dma_wait3A_197 = tpu.memref_slice %arg2[%add3A_162] : memref<320000xi32, #tpu.memory_space<hbm>> -> memref<80xi32, #tpu.memory_space<hbm>>
        %dma_wait3A_198 = arith.constant 0 : i32
        %dma_wait3A_199 = tpu.memref_slice %arg7[%dma_wait3A_198] : memref<10000xi32, #tpu.memory_space<vmem>> -> memref<80xi32, #tpu.memory_space<vmem>>
        %dma_wait3A_200 = tpu.memref_slice %arg2[%add3A_162] : memref<320000xi32, #tpu.memory_space<hbm>> -> memref<80xi32, #tpu.memory_space<hbm>>
        tpu.wait_dma2 semaphore(%run_scoped3A : memref<!tpu.dma_semaphore, #tpu.memory_space<semaphore_mem>>) src(%dma_wait3A_200 : memref<80xi32, #tpu.memory_space<hbm>>) dst(%dma_wait3A_199 : memref<80xi32, #tpu.memory_space<vmem>>)
        tpu.yield
      }) : () -> ()
      %dma_start3A_165 = arith.constant 0 : i32
      %dma_start3A_166 = tpu.memref_slice %arg7[%dma_start3A_165] : memref<10000xi32, #tpu.memory_space<vmem>> -> memref<80xi32, #tpu.memory_space<vmem>>
      %dma_start3A_167 = arith.constant 0 : i32
      %dma_start3A_168 = arith.constant 0 : i32
      %dma_start3A_169 = tpu.memref_slice %arg4[%dma_start3A_167, %dma_start3A_168] : memref<10240x128xf32, #tpu.memory_space<hbm>> -> memref<10240x128xf32, #tpu.memory_space<hbm>>
      tpu.enqueue_indirect_dma source(%dma_start3A_169 : memref<10240x128xf32, #tpu.memory_space<hbm>>) target(%arg11 : memref<80x128xf32, #tpu.memory_space<vmem>>) offsets(%dma_start3A_166 : memref<80xi32, #tpu.memory_space<vmem>>) semaphore(%arg18 : memref<!tpu.dma_semaphore, #tpu.memory_space<semaphore_mem>>)
      %dma_wait3A_170 = arith.constant 0 : i32
      %dma_wait3A_171 = arith.constant 0 : i32
      %dma_wait3A_172 = tpu.memref_slice %arg4[%dma_wait3A_170, %dma_wait3A_171] : memref<10240x128xf32, #tpu.memory_space<hbm>> -> memref<80x128xf32, #tpu.memory_space<hbm>>
      %dma_wait3A_173 = arith.constant 0 : i32
      %dma_wait3A_174 = arith.constant 0 : i32
      %dma_wait3A_175 = tpu.memref_slice %arg4[%dma_wait3A_173, %dma_wait3A_174] : memref<10240x128xf32, #tpu.memory_space<hbm>> -> memref<80x128xf32, #tpu.memory_space<hbm>>
      tpu.wait_dma2 semaphore(%arg18 : memref<!tpu.dma_semaphore, #tpu.memory_space<semaphore_mem>>) src(%dma_wait3A_175 : memref<80x128xf32, #tpu.memory_space<hbm>>) dst(%arg11 : memref<80x128xf32, #tpu.memory_space<vmem>>)
      %dma_wait3A_176 = arith.constant 0 : i32
      %dma_wait3A_177 = tpu.memref_slice %arg3[%dma_wait3A_176] : memref<320000xi32, #tpu.memory_space<hbm>> -> memref<80xi32, #tpu.memory_space<hbm>>
      %dma_wait3A_178 = arith.constant 0 : i32
      %dma_wait3A_179 = tpu.memref_slice %arg3[%dma_wait3A_178] : memref<320000xi32, #tpu.memory_space<hbm>> -> memref<80xi32, #tpu.memory_space<hbm>>
      tpu.wait_dma2 semaphore(%arg15 : memref<!tpu.dma_semaphore, #tpu.memory_space<semaphore_mem>>) src(%dma_wait3A_179 : memref<80xi32, #tpu.memory_space<hbm>>) dst(%arg8 : memref<80xi32, #tpu.memory_space<vmem>>)
      %dma_start3A_180 = arith.constant 0 : i32
      %dma_start3A_181 = arith.constant 0 : i32
      %dma_start3A_182 = tpu.memref_slice %arg14[%dma_start3A_180, %dma_start3A_181] : memref<10240x128xf32, #tpu.memory_space<vmem_shared>> -> memref<10240x128xf32, #tpu.memory_space<vmem_shared>>
      tpu.enqueue_indirect_dma source(%arg11 : memref<80x128xf32, #tpu.memory_space<vmem>>) target(%dma_start3A_182 : memref<10240x128xf32, #tpu.memory_space<vmem_shared>>) offsets(%arg8 : memref<80xi32, #tpu.memory_space<vmem>>) semaphore(%arg21 : memref<!tpu.dma_semaphore, #tpu.memory_space<semaphore_mem>>) {add = true}
      %dma_wait3A_183 = arith.constant 0 : i32
      %dma_wait3A_184 = arith.constant 0 : i32
      %dma_wait3A_185 = tpu.memref_slice %arg4[%dma_wait3A_183, %dma_wait3A_184] : memref<10240x128xf32, #tpu.memory_space<hbm>> -> memref<80x128xf32, #tpu.memory_space<hbm>>
      %dma_wait3A_186 = arith.constant 0 : i32
      %dma_wait3A_187 = arith.constant 0 : i32
      %dma_wait3A_188 = tpu.memref_slice %arg4[%dma_wait3A_186, %dma_wait3A_187] : memref<10240x128xf32, #tpu.memory_space<hbm>> -> memref<80x128xf32, #tpu.memory_space<hbm>>
      tpu.wait_dma2 semaphore(%arg21 : memref<!tpu.dma_semaphore, #tpu.memory_space<semaphore_mem>>) src(%dma_wait3A_188 : memref<80x128xf32, #tpu.memory_space<hbm>>) dst(%arg11 : memref<80x128xf32, #tpu.memory_space<vmem>>)
    } else {
    }
    %barrier3A_156 = arith.constant 0 : index
    tpu.barrier barrier_id(%barrier3A_156)
    %mul3A_157 = arith.constant 640 : i32
    %mul3A_158 = arith.muli %arg1, %mul3A_157 : i32
    %mul3A_159 = arith.constant 640 : i32
    %mul3A_160 = arith.muli %arg1, %mul3A_159 : i32
    "tpu.region"() ({
      %run_scoped3A = tpu.sem_alloc : memref<!tpu.dma_semaphore, #tpu.memory_space<semaphore_mem>>
      %dma_start3A_161 = arith.constant 0 : i32
      %dma_start3A_162 = tpu.memref_slice %arg6[%arg0, %mul3A_160, %dma_start3A_161] : memref<2x10240x128xf32, #tpu.memory_space<hbm>> -> memref<1x640x128xf32, #tpu.memory_space<hbm>>
      %dma_start3A_163 = tpu.memref_squeeze %dma_start3A_162 : memref<1x640x128xf32, #tpu.memory_space<hbm>> -> memref<640x128xf32, #tpu.memory_space<hbm>>
      %dma_start3A_164 = arith.constant 0 : i32
      %dma_start3A_165 = tpu.memref_slice %arg14[%mul3A_158, %dma_start3A_164] : memref<10240x128xf32, #tpu.memory_space<vmem_shared>> -> memref<640x128xf32, #tpu.memory_space<vmem_shared>>
      tpu.enqueue_dma source(%dma_start3A_165 : memref<640x128xf32, #tpu.memory_space<vmem_shared>>) target(%dma_start3A_163 : memref<640x128xf32, #tpu.memory_space<hbm>>) target_semaphore(%run_scoped3A : memref<!tpu.dma_semaphore, #tpu.memory_space<semaphore_mem>>)
      %dma_wait3A_166 = arith.constant 0 : i32
      %dma_wait3A_167 = tpu.memref_slice %arg6[%arg0, %mul3A_160, %dma_wait3A_166] : memref<2x10240x128xf32, #tpu.memory_space<hbm>> -> memref<1x640x128xf32, #tpu.memory_space<hbm>>
      %dma_wait3A_168 = tpu.memref_squeeze %dma_wait3A_167 : memref<1x640x128xf32, #tpu.memory_space<hbm>> -> memref<640x128xf32, #tpu.memory_space<hbm>>
      %dma_wait3A_169 = arith.constant 0 : i32
      %dma_wait3A_170 = tpu.memref_slice %arg14[%mul3A_158, %dma_wait3A_169] : memref<10240x128xf32, #tpu.memory_space<vmem_shared>> -> memref<640x128xf32, #tpu.memory_space<vmem_shared>>
      tpu.wait_dma2 semaphore(%run_scoped3A : memref<!tpu.dma_semaphore, #tpu.memory_space<semaphore_mem>>) src(%dma_wait3A_170 : memref<640x128xf32, #tpu.memory_space<vmem_shared>>) dst(%dma_wait3A_168 : memref<640x128xf32, #tpu.memory_space<hbm>>)
      tpu.yield
    }) : () -> ()
    return
  }
}

module attributes {stable_mosaic.version = 14 : i64} {
  func.func @_tc_scale_body(%arg0: memref<10240x128xf32, #tpu.memory_space<vmem>>, %arg1: memref<128x128xf32, #tpu.memory_space<vmem>>, %arg2: memref<2x10240x1xf32, #tpu.memory_space<vmem>>, %arg3: memref<10240x128xf32, #tpu.memory_space<vmem>>, %arg4: memref<10240x1xf32, #tpu.memory_space<vmem>>) attributes {dimension_semantics = [], scalar_prefetch = 0 : i64, scratch_operands = 0 : i64, tpu.core_type = #tpu.core_type<tc>} {
    %get3A = arith.constant 0 : index
    %get3A_0 = arith.constant 0 : index
    %get3A_1 = arith.constant 0 : index
    %get3A_2 = vector.load %arg2[%get3A, %get3A_0, %get3A_1] : memref<2x10240x1xf32, #tpu.memory_space<vmem>>, vector<1x10240x1xf32>
    %get3A_3 = vector.shape_cast %get3A_2 : vector<1x10240x1xf32> to vector<10240x1xf32>
    %get3A_4 = arith.constant 1 : index
    %get3A_5 = arith.constant 0 : index
    %get3A_6 = arith.constant 0 : index
    %get3A_7 = vector.load %arg2[%get3A_4, %get3A_5, %get3A_6] : memref<2x10240x1xf32, #tpu.memory_space<vmem>>, vector<1x10240x1xf32>
    %get3A_8 = vector.shape_cast %get3A_7 : vector<1x10240x1xf32> to vector<10240x1xf32>
    %add3A = arith.addf %get3A_3, %get3A_8 : vector<10240x1xf32>
    %add3A_9 = arith.constant 1.000000e+00 : f32
    %add3A_10 = vector.broadcast %add3A_9 : f32 to vector<10240x1xf32>
    %add3A_11 = arith.addf %add3A, %add3A_10 : vector<10240x1xf32>
    %rsqrt3A = math.rsqrt %add3A_11 : vector<10240x1xf32>
    %get3A_12 = arith.constant 0 : index
    %get3A_13 = arith.constant 0 : index
    %get3A_14 = vector.load %arg0[%get3A_12, %get3A_13] : memref<10240x128xf32, #tpu.memory_space<vmem>>, vector<10240x128xf32>
    %get3A_15 = arith.constant 0 : index
    %get3A_16 = arith.constant 0 : index
    %get3A_17 = vector.load %arg1[%get3A_15, %get3A_16] : memref<128x128xf32, #tpu.memory_space<vmem>>, vector<128x128xf32>
    %dot_general3A = arith.constant dense<0.000000e+00> : vector<10240x128xf32>
    %dot_general3A_18 = tpu.matmul %get3A_14, %get3A_17, %dot_general3A {dimension_numbers = #tpu.dot_dimension_numbers<[1], [0], [0], [1], [0, 0, 1, 1], [], []>, transpose_lhs_hint = false} : vector<10240x128xf32>, vector<128x128xf32>, vector<10240x128xf32> -> vector<10240x128xf32>
    %mul3A = vector.broadcast %rsqrt3A : vector<10240x1xf32> to vector<10240x128xf32>
    %mul3A_19 = arith.mulf %mul3A, %dot_general3A_18 : vector<10240x128xf32>
    %swap3A = arith.constant 0 : index
    %swap3A_20 = arith.constant 0 : index
    %swap3A_21 = vector.load %arg3[%swap3A, %swap3A_20] : memref<10240x128xf32, #tpu.memory_space<vmem>>, vector<10240x128xf32>
    tpu.vector_store %arg3[%swap3A, %swap3A_20], %mul3A_19 {strides = array<i32>} : memref<10240x128xf32, #tpu.memory_space<vmem>>, vector<10240x128xf32>,
    %swap3A_22 = arith.constant 0 : index
    %swap3A_23 = arith.constant 0 : index
    %swap3A_24 = vector.load %arg4[%swap3A_22, %swap3A_23] : memref<10240x1xf32, #tpu.memory_space<vmem>>, vector<10240x1xf32>
    tpu.vector_store %arg4[%swap3A_22, %swap3A_23], %rsqrt3A {strides = array<i32>} : memref<10240x1xf32, #tpu.memory_space<vmem>>, vector<10240x1xf32>,
    return
  }
}

module attributes {stable_mosaic.version = 14 : i64} {
  func.func @_tc_combine_body(%arg0: i32, %arg1: memref<2x1000x128xf32, #tpu.memory_space<vmem>>, %arg2: memref<1000x128xf32, #tpu.memory_space<vmem>>, %arg3: memref<1000x1xf32, #tpu.memory_space<vmem>>, %arg4: memref<1x128xf32, #tpu.memory_space<vmem>>, %arg5: memref<1000x128xf32, #tpu.memory_space<vmem>>) attributes {dimension_semantics = [#tpu.dimension_semantics<arbitrary>], iteration_bounds = array<i64: 10>, scalar_prefetch = 0 : i64, scratch_operands = 0 : i64, tpu.core_type = #tpu.core_type<tc>, window_params = [{transform_indices = @transform_0, window_bounds = array<i64: 2, 1000, 128>}, {transform_indices = @transform_1, window_bounds = array<i64: 1000, 128>}, {transform_indices = @transform_2, window_bounds = array<i64: 1000, 1>}, {pipeline_mode = #tpu.pipeline_mode<synchronous>, transform_indices = @transform_3, window_bounds = array<i64: 1, 128>}, {transform_indices = @transform_4, window_bounds = array<i64: 1000, 128>}]} {
    %get3A = arith.constant 0 : index
    %get3A_0 = arith.constant 0 : index
    %get3A_1 = arith.constant 0 : index
    %get3A_2 = vector.load %arg1[%get3A, %get3A_0, %get3A_1] : memref<2x1000x128xf32, #tpu.memory_space<vmem>>, vector<1x1000x128xf32>
    %get3A_3 = vector.shape_cast %get3A_2 : vector<1x1000x128xf32> to vector<1000x128xf32>
    %get3A_4 = arith.constant 1 : index
    %get3A_5 = arith.constant 0 : index
    %get3A_6 = arith.constant 0 : index
    %get3A_7 = vector.load %arg1[%get3A_4, %get3A_5, %get3A_6] : memref<2x1000x128xf32, #tpu.memory_space<vmem>>, vector<1x1000x128xf32>
    %get3A_8 = vector.shape_cast %get3A_7 : vector<1x1000x128xf32> to vector<1000x128xf32>
    %add3A = arith.addf %get3A_3, %get3A_8 : vector<1000x128xf32>
    %get3A_9 = arith.constant 0 : index
    %get3A_10 = arith.constant 0 : index
    %get3A_11 = vector.load %arg2[%get3A_9, %get3A_10] : memref<1000x128xf32, #tpu.memory_space<vmem>>, vector<1000x128xf32>
    %add3A_12 = arith.addf %add3A, %get3A_11 : vector<1000x128xf32>
    %get3A_13 = arith.constant 0 : index
    %get3A_14 = arith.constant 0 : index
    %get3A_15 = vector.load %arg3[%get3A_13, %get3A_14] : memref<1000x1xf32, #tpu.memory_space<vmem>>, vector<1000x1xf32>
    %mul3A = vector.broadcast %get3A_15 : vector<1000x1xf32> to vector<1000x128xf32>
    %mul3A_16 = arith.mulf %mul3A, %add3A_12 : vector<1000x128xf32>
    %get3A_17 = arith.constant 0 : index
    %get3A_18 = arith.constant 0 : index
    %get3A_19 = vector.load %arg4[%get3A_17, %get3A_18] : memref<1x128xf32, #tpu.memory_space<vmem>>, vector<1x128xf32>
    %add3A_20 = vector.broadcast %get3A_19 : vector<1x128xf32> to vector<1000x128xf32>
    %add3A_21 = arith.addf %mul3A_16, %add3A_20 : vector<1000x128xf32>
    %max3A = arith.constant 0.000000e+00 : f32
    %max3A_22 = vector.broadcast %max3A : f32 to vector<1000x128xf32>
    %max3A_23 = arith.maximumf %add3A_21, %max3A_22 : vector<1000x128xf32>
    %swap3A = arith.constant 0 : index
    %swap3A_24 = arith.constant 0 : index
    %swap3A_25 = vector.load %arg5[%swap3A, %swap3A_24] : memref<1000x128xf32, #tpu.memory_space<vmem>>, vector<1000x128xf32>
    tpu.vector_store %arg5[%swap3A, %swap3A_24], %max3A_23 {strides = array<i32>} : memref<1000x128xf32, #tpu.memory_space<vmem>>, vector<1000x128xf32>,
    return
  }
  func.func @transform_0(%arg0: i32) -> (i32, i32, i32) {
    %c0_i32 = arith.constant 0 : i32
    %c0_i32_0 = arith.constant 0 : i32
    %c0_i32_1 = arith.constant 0 : i32
    return %c0_i32, %arg0, %c0_i32_0 : i32, i32, i32
  }
  func.func @transform_1(%arg0: i32) -> (i32, i32) {
    %c0_i32 = arith.constant 0 : i32
    %c0_i32_0 = arith.constant 0 : i32
    return %arg0, %c0_i32 : i32, i32
  }
  func.func @transform_2(%arg0: i32) -> (i32, i32) {
    %c0_i32 = arith.constant 0 : i32
    %c0_i32_0 = arith.constant 0 : i32
    return %arg0, %c0_i32 : i32, i32
  }
  func.func @transform_3(%arg0: i32) -> (i32, i32) {
    %c0_i32 = arith.constant 0 : i32
    %c0_i32_0 = arith.constant 0 : i32
    %c0_i32_1 = arith.constant 0 : i32
    return %c0_i32, %c0_i32_0 : i32, i32
  }
  func.func @transform_4(%arg0: i32) -> (i32, i32) {
    %c0_i32 = arith.constant 0 : i32
    %c0_i32_0 = arith.constant 0 : i32
    return %arg0, %c0_i32 : i32, i32
  }
}

</mosaic_0001>

<sc_bundles>
// kernel: kernel.6.cloned.1.call-start
scs
__scs_entry_jumppad:
0x0: {  	(pc) =	sbr.rel $0x88, $3  }
0x1: {  	(tag) =	ssettag $0x0;
	lr =	simm.s32 $0x1  }
0x2: {  	[smem:$0x3F9D] =	sst lr;
	_ =	strace $0xD0000000  }
0x3: {  	_ = 	snop  }
0x4: {  	_ = 	snop  }
0x5: {  	_ = 	snop  }
0x6: {  	_ = 	snop  }
0x7: {  	_ = 	snop  }
__scs_overlays_trampoline_lowered:
0x8: {  	[smem:$0x3FAC] =	sst s0  }
0x9: {  	[smem:$0x3FAD] =	sst s1  }
0xa: {  	[smem:$0x3FAE] =	sst s2  }
0xb: {  	[smem:$0x3FAF] =	sst s3  }
0xc: {  	[smem:$0x3FB0] =	sst s4  }
0xd: {  	[smem:$0x3FB1] =	sst s5  }
0xe: {  	[smem:$0x3FB2] =	sst s6  }
0xf: {  	[smem:$0x3FB3] =	sst s7  }
0x10: {  	[smem:$0x3FB4] =	sst s8  }
0x11: {  	[smem:$0x3FB5] =	sst s9;
	s0 =	simm.s32 @!p0 $0x0  }
0x12: {  	s1 =	sld [smem:$0x3F9B];
	s0 =	simm.s32 @p0 $0x1  }
0x13: {  	[smem:$0x3FB6] =	sst s0;
	s0 =	simm.s32 @!p1 $0x0  }
0x14: {  	s2 =	sld [smem:$0x3F9A];
	s0 =	simm.s32 @p1 $0x1  }
0x15: {  	[smem:$0x3FB7] =	sst s0;
	s0 =	simm.s32 @!p2 $0x0  }
0x16: {  	s3 =	sld [smem:$0x3FDB];
	s0 =	simm.s32 @p2 $0x1  }
0x17: {  	s4 =	simm.s32 $0x1BF5;
	[smem:$0x3FB9] =	sst s0  }
0x18: {  	s0 =	sld [smem:$0x3F9C];
	_ =	swait.ge [sflag:s4], $0x0  }
0x19: {  	s7 =	sld [smem:$0x3F9D]  }
0x1a: {  	s8 =	sadd.s32 $0xFFFFE003, lr  }
0x1b: {  	s9 =	sadd.s32 $0xFFFFFEF7, lr;
	s5 =	simm.s32 $0xFFFFFFFF;
	p2 =	slt.u32 s8, $0xFFFFF086  }
0x1c: {  	p1 =	slt.u32 s9, $0xF7A;
	s5 =	simm.s32 @!p2 $0x0  }
0x1d: {  	s5 =	simm.s32 @p1 $0x1;
	p0 =	seq.s32 s7, s2  }
0x1e: {  	s7 =	smul.u32 @!p0 $0xF7A, s2;
	p2 =	seq.s32 @!p0 s5, $0x0  }
0x1f: {  	s9 =	smul.u32 $0xF7A, s1;
	s8 =	simm.s32 @!p0 $0x1BF5;
	p2 =	por !p2, p0  }
0x20: {  	[sflag:s8] =	ssyncset.s32 @!p0 $0xFFFFF086;
	s6 =	sadd.s32 @!p0 s3, s7;
	s7 =	simm.s32 @!p0 $0x108  }
0x21: {  	s3 =	sadd.s32 s3, s9;
	s6 =	sadd.s32 @!p0 $0x88, s6;
	s7 =	simm.s32 @p2 $0x1082  }
0x22: {  	[simem:s7], [sflag:s8] =	dma.local @!p0 [hbm:s6], $0xF7A  }
0x23: {  	s9 =	sor.u32 $0xD0000000, s2;
	s6 =	simm.s32 $0x108;
	_ =	swait.ge @!p0 [sflag:s8], $0x0  }
0x24: {  	s3 =	sadd.s32 $0x88, s3;
	s6 =	simm.s32 @!p1 $0x1082;
	[sflag:s4] =	ssyncset.s32 $0xFFFFF086  }
0x25: {  	[simem:s6], [sflag:s4] =	dma.local [hbm:s3], $0xF7A  }
0x26: {  	[smem:$0x3F9D] =	sst s1;
	(tag) =	ssettag s2;
	_ =	strace s9  }
0x27: {  	s1 =	sld [smem:$0x3FAD]  }
0x28: {  	s2 =	sld [smem:$0x3FAE]  }
0x29: {  	s4 =	sld [smem:$0x3FB0]  }
0x2a: {  	p0 =	seq.s32 s5, $0x0;
	s5 =	sld [smem:$0x3FB1]  }
0x2b: {  	s6 =	sld [smem:$0x3FB2]  }
0x2c: {  	s7 =	sld [smem:$0x3FB3]  }
0x2d: {  	s3 =	simm.s32 $0x108;
	s8 =	sld [smem:$0x3FB4]  }
0x2e: {  	s3 =	simm.s32 @!p0 $0x1082;
	s9 =	sld [smem:$0x3FB5]  }
0x2f: {  	lr =	sadd.s32 s0, s3;
	s0 =	sld [smem:$0x3FAC]  }
0x30: {  	s3 =	sld [smem:$0x3FAF]  }
0x31: {  	[smem:$0x3FB8] =	sst s10  }
0x32: {  	s10 =	sld [smem:$0x3FB6];
	_ =	sdelay $0x3  }
0x33: {  	p0 =	seq.s32 s10, $0x1;
	s10 =	sld [smem:$0x3FB8];
	_ =	sdelay $0x3  }
0x34: {  	[smem:$0x3FB8] =	sst s10  }
0x35: {  	s10 =	sld [smem:$0x3FB7];
	_ =	sdelay $0x3  }
0x36: {  	p1 =	seq.s32 s10, $0x1;
	s10 =	sld [smem:$0x3FB8];
	_ =	sdelay $0x3  }
0x37: {  	[smem:$0x3FB8] =	sst s10  }
0x38: {  	s10 =	sld [smem:$0x3FB9]  }
0x39: {  	_ = 	snop;
	(pc) =	sbr.ind lr, $3  }
0x3a: {  	_ = 	snop  }
0x3b: {  	_ = 	snop  }
0x3c: {  	p2 =	seq.s32 s10, $0x1;
	s10 =	sld [smem:$0x3FB8]  }
0x3d: {  	_ =	shalt  }
0x3e: {  	_ =	shalt  }
0x3f: {  	_ =	shalt  }
0x40: {  	_ =	shalt  }
0x41: {  	_ =	shalt  }
0x42: {  	_ =	shalt  }
0x43: {  	_ =	shalt  }
0x44: {  	_ =	shalt  }
0x45: {  	_ =	shalt  }
0x46: {  	_ =	shalt  }
0x47: {  	_ =	shalt  }
0x48: {  	_ =	shalt  }
0x49: {  	_ =	shalt  }
0x4a: {  	_ =	shalt  }
0x4b: {  	_ =	shalt  }
0x4c: {  	_ =	shalt  }
0x4d: {  	_ =	shalt  }
0x4e: {  	_ =	shalt  }
0x4f: {  	_ =	shalt  }
0x50: {  	_ =	shalt  }
0x51: {  	_ =	shalt  }
0x52: {  	_ =	shalt  }
0x53: {  	_ =	shalt  }
0x54: {  	_ =	shalt  }
0x55: {  	_ =	shalt  }
0x56: {  	_ =	shalt  }
0x57: {  	_ =	shalt  }
0x58: {  	_ =	shalt  }
0x59: {  	_ =	shalt  }
0x5a: {  	_ =	shalt  }
0x5b: {  	_ =	shalt  }
0x5c: {  	_ =	shalt  }
0x5d: {  	_ =	shalt  }
0x5e: {  	_ =	shalt  }
0x5f: {  	_ =	shalt  }
0x60: {  	_ =	shalt  }
0x61: {  	_ =	shalt  }
0x62: {  	_ =	shalt  }
0x63: {  	_ =	shalt  }
0x64: {  	_ =	shalt  }
0x65: {  	_ =	shalt  }
0x66: {  	_ =	shalt  }
0x67: {  	_ =	shalt  }
0x68: {  	_ =	shalt  }
0x69: {  	_ =	shalt  }
0x6a: {  	_ =	shalt  }
0x6b: {  	_ =	shalt  }
0x6c: {  	_ =	shalt  }
0x6d: {  	_ =	shalt  }
0x6e: {  	_ =	shalt  }
0x6f: {  	_ =	shalt  }
0x70: {  	_ =	shalt  }
0x71: {  	_ =	shalt  }
0x72: {  	_ =	shalt  }
0x73: {  	_ =	shalt  }
0x74: {  	_ =	shalt  }
0x75: {  	_ =	shalt  }
0x76: {  	_ =	shalt  }
0x77: {  	_ =	shalt  }
0x78: {  	_ =	shalt  }
0x79: {  	_ =	shalt  }
0x7a: {  	_ =	shalt  }
0x7b: {  	_ =	shalt  }
0x7c: {  	_ =	shalt  }
0x7d: {  	_ =	shalt  }
0x7e: {  	_ =	shalt  }
0x7f: {  	_ =	shalt  }
0x80: {  	_ =	shalt  }
0x81: {  	_ =	shalt  }
0x82: {  	_ =	shalt  }
0x83: {  	_ =	shalt  }
0x84: {  	_ =	shalt  }
0x85: {  	_ =	shalt  }
0x86: {  	_ =	shalt  }
0x87: {  	_ =	shalt  }
.Lfunc_end0:
.L_simem_size_0:
called_computation_lowered:
.L_overlay_start_0:
0x88: {  	s2 =	sld [smem:$0x3FD9]  }
0x89: {  	s3 =	sld [smem:$0x3FFE];
	_ =	sdelay $0x1  }
0x8a: {  	s1 =	srdreg.scid  }
0x8b: {  	s0 =	sand.u32 $0x1, s1  }
0x8c: {  	s17 =	sshll.u32 s0, $0xA;
	s2 =	sadd.s32 s3, s2  }
0x8d: {  	s2 =	sadd.s32 s2, s17  }
0x8e: {  	[smem:$0x3FC4] =	sst s2  }
0x8f: {  	_ = 	snop  }
0x90: {  	s2 =	sld [smem:$0x3FD0];
	(tm) =	ssettm $0x1  }
0x91: {  	s18 =	sld [smem:$0x3FFB];
	_ =	sdelay $0x3  }
0x92: {  	_ =	strace s18  }
0x93: {  	s3 =	sld [smem:$0x3FFC];
	_ =	sdelay $0x3  }
0x94: {  	_ =	strace s3  }
0x95: {  	s3 =	sld [smem:$0x3FFD];
	_ =	sdelay $0x3  }
0x96: {  	_ =	strace s3  }
0x97: {  	_ =	strace $0x8FFFFFFF  }
0x98: {  	s19 =	sld [smem:$0x3FDB];
	_ =	sdelay $0x1  }
0x99: {  	s4 =	simm.s32 $_scs_section_size  }
0x9a: {  	s5 =	simm.s32 $_size__tile_overlayer_lowered;
	s6 =	simm.s32 $_tile_overlayer_lowered  }
0x9b: {  	s22 =	simm.s32 $0x1BFF;
	s21 =	sshll.u32 s6, $0x1;
	s3 =	sadd.s32 s4, s19  }
0x9c: {  	s7 =	simm.s32 $0x0;
	s20 =	sshll.u32 s5, $0x1;
	s5 =	sadd.s32 s21, s3  }
0x9d: {  	[timem:s7], [sflag:s22] =	dma.local [hbm:s5], s20  }
0x9e: {  	_ =	swait.ge [sflag:s22], s20  }
0x9f: {  	s4 =	ssub.s32 $0x0, s20;
	[sflag:s22] =	ssyncset.done $0x0  }
0xa0: {  	[sflag:s22] =	ssyncadd.s32 s4;
	_ =	sdelay $0x1  }
0xa1: {  	s23 =	simm.s32 $0x1B8B  }
0xa2: {  	_ =	swait.ge [sflag:s23], $0x1  }
0xa3: {  	[sflag:s23] =	ssyncset.done $0x0  }
0xa4: {  	s25 =	simm.s32 $0x1B8E;
	s24 =	sld [smem:$0x3FFE];
	[sflag:s23] =	ssyncadd.s32 $0xFFFFFFFF  }
0xa5: {  	s26 =	simm.s32 $execute0_lowered;
	[smem:$0x3FD2] =	sst s25  }
0xa6: {  	s5 =	sshll.u32 s26, $0x1;
	_ =	strace $0x80000046;
	[dreg:$0x1] =	wrdreg $0xFFFFFFFF  }
0xa7: {  	s28 =	simm.s32 $_size_execute0_lowered;
	s3 =	sadd.s32 s3, s5;
	[dreg:$0x0] =	wrdreg $0x0  }
0xa8: {  	s5 =	sshll.u32 s28, $0x1;
	[dreg:$0x2] =	wrdreg s3  }
0xa9: {  	[dreg:$0x3] =	wrdreg s5  }
0xaa: {  	[dreg:$0x4] =	wrdreg $0xC0  }
0xab: {  	_ =	task [dreg:s7], $0x5FFFF  }
0xac: {  	[dreg:$0x1] =	wrdreg $0xFFFFFFFF  }
0xad: {  	[dreg:$0x0] =	wrdreg $0x60  }
0xae: {  	[dreg:$0x2] =	wrdreg s2  }
0xaf: {  	[dreg:$0x3] =	wrdreg s24  }
0xb0: {  	[dreg:$0x4] =	wrdreg $0x4000  }
0xb1: {  	[dreg:$0x5] =	wrdreg $0x9  }
0xb2: {  	_ =	task.clear_ibuf [dreg:s7], $0x6FFFF;
	_ =	strace $0x90000046  }
0xb3: {  	s29 =	simm.s32 $0x9;
	_ =	strace $0x80000048  }
0xb4: {  	_ =	swait.ge [sflag:s29], $0x1  }
0xb5: {  	[sflag:s29] =	ssyncadd.s32 $0xFFFFFFFF  }
0xb6: {  	_ =	strace $0x90000048  }
0xb7: {  	_ =	sfence  }
0xb8: {  	s30 =	sld [smem:$0x0];
	_ =	sdelay $0x2  }
0xb9: {  	s31 =	sshll.u32 s1, $0xD;
	s1 =	sshrl.u32 s1, $0x2  }
0xba: {  	s3 =	sand.u32 $0x4000, s31;
	s1 =	sadd.s32 s1, s30  }
0xbb: {  	s0 =	sor.u32 s3, s0;
	s1 =	sshll.u32 s1, $0x11  }
0xbc: {  	s0 =	sor.u32 s1, s0  }
0xbd: {  	s0 =	sadd.s32 $0x8F2B, s0  }
0xbe: {  	[sflag:s0] =	ssyncadd.remote.s32 $0x1  }
0xbf: {  	_ =	sfence.sel $0xFFFF  }
0xc0: {  	[dreg:$0x0] =	wrdreg $0xFFFFFFFF;
	(pc) =	sbr.abs _section_cstart, $3  }
0xc1: {  	[dreg:$0x1] =	wrdreg $0xFFFFFFFF  }
0xc2: {  	_ =	task.clear_ibuf [dreg:s7], $0x2FFFF;
	_ =	strace $0x9FFFFFFF  }
0xc3: {  	(tm) =	ssettm $0x7FFFFFFF  }
tec
execute0_lowered:
.L_overlay_start_1:
0x0: {  	(tag) =	ssettag $0x1  }
0x1: {  	s2 =	rddreg [dreg:$0x0]  }
0x2: {  	s0 =	rddreg [dreg:$0x1]  }
0x3: {  	s3 =	rddreg [dreg:$0x2]  }
0x4: {  	s11 =	stileid.u32;
	s1 =	srdreg.scid  }
0x5: {  	s4 =	simm.s32 $0x0;
	s28 =	simm.s32 $0x3;
	s29 =	simm.s32 $0x4  }
0x6: {  	s30 =	simm.s32 $0x5;
	s31 =	simm.s32 $0x6;
	s5 =	smul.u32 $0x280, s11  }
0x7: {  	s1 =	sand.u32 $0x1, s1;
	[smem:$0x7FF] =	sst s4;
	s8 =	smul.u32 $0x4E, s11  }
0x8: {  	s7 =	sadd.s32 $0xB800, s0;
	s9 =	smin.u32 s11, $0x2;
	s23 =	smul.u32 $0x2700, s11  }
0x9: {  	p0 =	sgt.u32 s11, $0x1;
	s6 =	smul.u32 $0x2800, s1;
	_ =	strace $0x80000047  }
0xa: {  	[dreg:$0x9] =	wrdreg s7;
	s10 =	ssub.s32 $0x2, s1;
	s1 =	smul.u32 $0x27100, s1  }
0xb: {  	s26 =	sshll.u32 s9, $0x7;
	s21 =	sshrl.u32 s5, $0x3;
	s8 =	sadd.s32 s9, s8  }
0xc: {  	s22 =	sshrl.u32 s10, $0x1;
	s6 =	sadd.s32 s5, s6;
	s7 =	sadd.s32 s21, s0  }
0xd: {  	s8 =	sshll.u32 s8, $0x7;
	s5 =	sadd.s32 s5, s3;
	s6 =	sshrl.u32 s6, $0x3  }
0xe: {  	s8 =	sadd.s32 s1, s8;
	[dreg:$0xa] =	wrdreg s5;
	s24 =	sadd.s32 $0xB200, s7  }
0xf: {  	s1 =	sadd.s32 s23, s1;
	s0 =	sadd.s32 s6, s0;
	s6 =	ssub.s32 s10, s22  }
0x10: {  	[dreg:$0xb] =	wrdreg s24;
	s25 =	sshrl.u32 s8, $0x3;
	s1 =	sadd.s32 s26, s1  }
0x11: {  	s8 =	sadd.s32 s2, s25;
	s14 =	sadd.s32 $0x580, s1;
	s16 =	sadd.s32 $0x500, s1  }
0x12: {  	s19 =	sadd.s32 $0x480, s1;
	s21 =	sadd.s32 $0x400, s1;
	s22 =	sadd.s32 $0x380, s1  }
0x13: {  	s0 =	sadd.s32 $0xBA00, s0;
	s26 =	smax.u32 s6, $0x1;
	s6 =	simm.s32 $0xA  }
0x14: {  	s9 =	sadd.s32 $0x10, s8;
	s10 =	sadd.s32 $0x20, s8;
	[dreg:$0x12] =	wrdreg s0  }
0x15: {  	s12 =	sadd.s32 $0x30, s8;
	s13 =	sadd.s32 $0x40, s8;
	[dreg:$0x13] =	wrdreg s26  }
0x16: {  	s15 =	sadd.s32 $0x50, s8;
	s5 =	sshrl.u32 s14, $0x3;
	[dreg:$0xc] =	wrdreg s9  }
0x17: {  	s17 =	sadd.s32 $0x4E0, s8;
	s7 =	sshrl.u32 s16, $0x3;
	[dreg:$0xd] =	wrdreg s10  }
0x18: {  	s20 =	sshrl.u32 s19, $0x3;
	s24 =	sshrl.u32 s22, $0x3;
	[dreg:$0xe] =	wrdreg s12  }
0x19: {  	s19 =	simm.s32 $0x80;
	s22 =	simm.s32 $0x200;
	[dreg:$0xf] =	wrdreg s13  }
0x1a: {  	s26 =	simm.s32 $0x2;
	s0 =	simm.s32 $0x7;
	[dreg:$0x10] =	wrdreg s15  }
0x1b: {  	[dreg:$0x11] =	wrdreg s17;
	s5 =	sadd.s32 s5, s2;
	s18 =	sadd.s32 s7, s2  }
0x1c: {  	s7 =	sshrl.u32 s21, $0x3;
	s25 =	sadd.s32 s24, s2;
	s17 =	sadd.s32 $0x300, s1  }
0x1d: {  	s21 =	simm.s32 $0x180;
	s24 =	simm.s32 $0x300;
	s1 =	simm.s32 $0x8  }
0x1e: {  	s9 =	simm.s32 $0xC;
	s10 =	simm.s32 $0x0;
	[dreg:$0x4] =	wrdreg s5  }
0x1f: {  	[dreg:$0x5] =	wrdreg s18;
	s5 =	sadd.s32 s20, s2;
	s23 =	sadd.s32 s7, s2  }
0x20: {  	[dreg:$0x8] =	wrdreg s25;
	s18 =	simm.s32 $0xE;
	s20 =	simm.s32 $0x100  }
0x21: {  	s25 =	simm.s32 $0x1;
	s7 =	simm.s32 $0xB;
	[dreg:$0x6] =	wrdreg s5  }
0x22: {  	[dreg:$0x7] =	wrdreg s23;
	s23 =	simm.s32 $0x280;
	s5 =	simm.s32 $0x9  }
.LBB2_1:
0x23: {  	s11 =	rddreg [dreg:$0x9];
	s15 =	stileid.u32  }
0x24: {  	[tilespmem:s4], [sflag:$0xE] =	stream.linear.gather [hbm4b:s11+s4], $0x80, $0x38;
	[tilespmem:$0x680] =	vst v63  }
0x25: {  	s11 =	sshll.u32 s15, $0x6;
	_ =	swait.ge [sflag:s18], $0x80  }
0x26: {  	s11 =	sor.u32 $0x1C0E, s11;
	[sflag:s18] =	ssyncset.done $0x0;
	s12 =	rddreg [dreg:$0xa]  }
0x27: {  	s13 =	rddreg [dreg:$0xb];
	[sflag:s18] =	ssyncadd.s32 $0xFFFFFF80;
	s12 =	sshrl.u32 s12, $0x3  }
0x28: {  	[spmem:s12], [sflag:s11] =	dma.local [hbm:s13], $0x50  }
0x29: {  	_ =	swait.ge [sflag:s18], $0x50  }
0x2a: {  	[sflag:s18] =	ssyncset.done $0x0  }
0x2b: {  	[sflag:s18] =	ssyncadd.s32 $0xFFFFFFB0  }
0x2c: {  	[bflag:$0x0] =	sbarrier.arrive $0xFFFF  }
0x2d: {  	[tilespmem:s19], [sflag:$0x1] =	stream.linear.gather [hbm4b:s8+s4], $0x80, $0x38;
	[tilespmem:$0x680] =	vst v63  }
0x2e: {  	s16 =	rddreg [dreg:$0xc]  }
0x2f: {  	[tilespmem:s20], [sflag:$0x2] =	stream.linear.gather [hbm4b:s16+s4], $0x80, $0x38;
	[tilespmem:$0x680] =	vst v63  }
0x30: {  	s14 =	rddreg [dreg:$0xd]  }
0x31: {  	[tilespmem:s21], [sflag:$0x3] =	stream.linear.gather [hbm4b:s14+s4], $0x80, $0x38;
	[tilespmem:$0x680] =	vst v63  }
0x32: {  	s15 =	rddreg [dreg:$0xe]  }
0x33: {  	[tilespmem:s22], [sflag:$0x4] =	stream.linear.gather [hbm4b:s15+s4], $0x80, $0x38;
	[tilespmem:$0x680] =	vst v63  }
0x34: {  	s16 =	rddreg [dreg:$0xf]  }
0x35: {  	[tilespmem:s23], [sflag:$0x5] =	stream.linear.gather [hbm4b:s16+s4], $0x80, $0x38;
	[tilespmem:$0x680] =	vst v63  }
0x36: {  	s14 =	rddreg [dreg:$0x10]  }
0x37: {  	[tilespmem:s24], [sflag:$0x6] =	stream.linear.gather [hbm4b:s14+s4], $0x80, $0x38;
	[tilespmem:$0x680] =	vst v63  }
0x38: {  	_ =	swait.ge [sflag:s25], $0x80  }
0x39: {  	[sflag:s25] =	ssyncset.done $0x0  }
0x3a: {  	[sflag:s25] =	ssyncadd.s32 $0xFFFFFF80  }
0x3b: {  	[spmem:s3] =	stream.indirect.scatter.add.f32 [tilespmem:s4], [sflag:$0x7], $0x1, s19, s19, $0xb8;
	[tilespmem:$0x680] =	vst v63  }
0x3c: {  	_ =	swait.ge [sflag:s26], $0x80  }
0x3d: {  	[sflag:s26] =	ssyncset.done $0x0  }
0x3e: {  	[sflag:s26] =	ssyncadd.s32 $0xFFFFFF80  }
0x3f: {  	[spmem:s3] =	stream.indirect.scatter.add.f32 [tilespmem:s4], [sflag:$0x8], $0x1, s20, s19, $0xb8;
	[tilespmem:$0x680] =	vst v63  }
0x40: {  	_ =	swait.ge [sflag:s28], $0x80  }
0x41: {  	[sflag:s28] =	ssyncset.done $0x0  }
0x42: {  	[sflag:s28] =	ssyncadd.s32 $0xFFFFFF80  }
0x43: {  	[spmem:s3] =	stream.indirect.scatter.add.f32 [tilespmem:s4], [sflag:$0x9], $0x1, s21, s19, $0xb8;
	[tilespmem:$0x680] =	vst v63  }
0x44: {  	_ =	swait.ge [sflag:s29], $0x80  }
0x45: {  	[sflag:s29] =	ssyncset.done $0x0  }
0x46: {  	[sflag:s29] =	ssyncadd.s32 $0xFFFFFF80  }
0x47: {  	[spmem:s3] =	stream.indirect.scatter.add.f32 [tilespmem:s4], [sflag:$0xA], $0x1, s22, s19, $0xb8;
	[tilespmem:$0x680] =	vst v63  }
0x48: {  	_ =	swait.ge [sflag:s30], $0x80  }
0x49: {  	[sflag:s30] =	ssyncset.done $0x0  }
0x4a: {  	[sflag:s30] =	ssyncadd.s32 $0xFFFFFF80  }
0x4b: {  	[spmem:s3] =	stream.indirect.scatter.add.f32 [tilespmem:s4], [sflag:$0xB], $0x1, s23, s19, $0xb8;
	[tilespmem:$0x680] =	vst v63  }
0x4c: {  	_ =	swait.ge [sflag:s31], $0x80  }
0x4d: {  	[sflag:s31] =	ssyncset.done $0x0  }
0x4e: {  	[sflag:s31] =	ssyncadd.s32 $0xFFFFFF80  }
0x4f: {  	[spmem:s3] =	stream.indirect.scatter.add.f32 [tilespmem:s4], [sflag:$0xC], $0x1, s24, s19, $0xb8;
	[tilespmem:$0x680] =	vst v63  }
0x50: {  	_ =	swait.ge [sflag:s0], $0x80  }
0x51: {  	s15 =	sshrl.u32 s17, $0x3;
	[sflag:s0] =	ssyncset.done $0x0  }
0x52: {  	s13 =	sadd.s32 s2, s15;
	[sflag:s0] =	ssyncadd.s32 $0xFFFFFF80  }
0x53: {  	[tilespmem:s19], [sflag:$0x1] =	stream.linear.gather [hbm4b:s13+s4], $0x80, $0x38;
	[tilespmem:$0x680] =	vst v63  }
0x54: {  	_ =	swait.ge [sflag:s1], $0x80  }
0x55: {  	s16 =	rddreg [dreg:$0x8];
	[sflag:s1] =	ssyncset.done $0x0  }
0x56: {  	[sflag:s1] =	ssyncadd.s32 $0xFFFFFF80;
	s13 =	sadd.s32 $0x0, s16  }
0x57: {  	[tilespmem:s20], [sflag:$0x2] =	stream.linear.gather [hbm4b:s13+s4], $0x80, $0x38;
	[tilespmem:$0x680] =	vst v63  }
0x58: {  	_ =	swait.ge [sflag:s5], $0x80  }
0x59: {  	s14 =	rddreg [dreg:$0x7];
	[sflag:s5] =	ssyncset.done $0x0  }
0x5a: {  	[sflag:s5] =	ssyncadd.s32 $0xFFFFFF80;
	s13 =	sadd.s32 $0x0, s14  }
0x5b: {  	[tilespmem:s21], [sflag:$0x3] =	stream.linear.gather [hbm4b:s13+s4], $0x80, $0x38;
	[tilespmem:$0x680] =	vst v63  }
0x5c: {  	_ =	swait.ge [sflag:s6], $0x80  }
0x5d: {  	s15 =	rddreg [dreg:$0x6];
	[sflag:s6] =	ssyncset.done $0x0  }
0x5e: {  	[sflag:s6] =	ssyncadd.s32 $0xFFFFFF80;
	s13 =	sadd.s32 $0x0, s15  }
0x5f: {  	[tilespmem:s22], [sflag:$0x4] =	stream.linear.gather [hbm4b:s13+s4], $0x80, $0x38;
	[tilespmem:$0x680] =	vst v63  }
0x60: {  	_ =	swait.ge [sflag:s7], $0x80  }
0x61: {  	s16 =	rddreg [dreg:$0x5];
	[sflag:s7] =	ssyncset.done $0x0  }
0x62: {  	[sflag:s7] =	ssyncadd.s32 $0xFFFFFF80;
	s13 =	sadd.s32 $0x0, s16  }
0x63: {  	[tilespmem:s23], [sflag:$0x5] =	stream.linear.gather [hbm4b:s13+s4], $0x80, $0x38;
	[tilespmem:$0x680] =	vst v63  }
0x64: {  	_ =	swait.ge [sflag:s9], $0x80  }
0x65: {  	s13 =	simm.s32 $0x60;
	s14 =	rddreg [dreg:$0x4];
	[sflag:s9] =	ssyncset.done $0x0  }
0x66: {  	[sflag:s9] =	ssyncadd.s32 $0xFFFFFF80;
	s15 =	sadd.s32 $0x0, s14;
	s14 =	sadd.s32 $0x300, s17  }
.LBB2_2:
0x67: {  	[tilespmem:s24], [sflag:$0x6] =	stream.linear.gather [hbm4b:s15+s4], $0x80, $0x38;
	[tilespmem:$0x680] =	vst v63  }
0x68: {  	_ =	swait.ge [sflag:s25], $0x80  }
0x69: {  	[sflag:s25] =	ssyncset.done $0x0  }
0x6a: {  	[sflag:s25] =	ssyncadd.s32 $0xFFFFFF80  }
0x6b: {  	[spmem:s3] =	stream.indirect.scatter.add.f32 [tilespmem:s4], [sflag:$0x7], $0x1, s19, s19, $0xb8;
	[tilespmem:$0x680] =	vst v63  }
0x6c: {  	_ =	swait.ge [sflag:s26], $0x80  }
0x6d: {  	[sflag:s26] =	ssyncset.done $0x0  }
0x6e: {  	[sflag:s26] =	ssyncadd.s32 $0xFFFFFF80  }
0x6f: {  	[spmem:s3] =	stream.indirect.scatter.add.f32 [tilespmem:s4], [sflag:$0x8], $0x1, s20, s19, $0xb8;
	[tilespmem:$0x680] =	vst v63  }
0x70: {  	_ =	swait.ge [sflag:s28], $0x80  }
0x71: {  	[sflag:s28] =	ssyncset.done $0x0  }
0x72: {  	[sflag:s28] =	ssyncadd.s32 $0xFFFFFF80  }
0x73: {  	[spmem:s3] =	stream.indirect.scatter.add.f32 [tilespmem:s4], [sflag:$0x9], $0x1, s21, s19, $0xb8;
	[tilespmem:$0x680] =	vst v63  }
0x74: {  	_ =	swait.ge [sflag:s29], $0x80  }
0x75: {  	[sflag:s29] =	ssyncset.done $0x0  }
0x76: {  	[sflag:s29] =	ssyncadd.s32 $0xFFFFFF80  }
0x77: {  	[spmem:s3] =	stream.indirect.scatter.add.f32 [tilespmem:s4], [sflag:$0xA], $0x1, s22, s19, $0xb8;
	[tilespmem:$0x680] =	vst v63  }
0x78: {  	_ =	swait.ge [sflag:s30], $0x80  }
0x79: {  	[sflag:s30] =	ssyncset.done $0x0  }
0x7a: {  	[sflag:s30] =	ssyncadd.s32 $0xFFFFFF80  }
0x7b: {  	[spmem:s3] =	stream.indirect.scatter.add.f32 [tilespmem:s4], [sflag:$0xB], $0x1, s23, s19, $0xb8;
	[tilespmem:$0x680] =	vst v63  }
0x7c: {  	_ =	swait.ge [sflag:s31], $0x80  }
0x7d: {  	[sflag:s31] =	ssyncset.done $0x0  }
0x7e: {  	[sflag:s31] =	ssyncadd.s32 $0xFFFFFF80  }
0x7f: {  	[spmem:s3] =	stream.indirect.scatter.add.f32 [tilespmem:s4], [sflag:$0xC], $0x1, s24, s19, $0xb8;
	[tilespmem:$0x680] =	vst v63  }
0x80: {  	_ =	swait.ge [sflag:s0], $0x80  }
0x81: {  	s16 =	sshrl.u32 s14, $0x3;
	[sflag:s0] =	ssyncset.done $0x0  }
0x82: {  	s16 =	sadd.s32 s2, s16;
	[sflag:s0] =	ssyncadd.s32 $0xFFFFFF80  }
0x83: {  	[tilespmem:s19], [sflag:$0x1] =	stream.linear.gather [hbm4b:s16+s4], $0x80, $0x38;
	[tilespmem:$0x680] =	vst v63  }
0x84: {  	_ =	swait.ge [sflag:s1], $0x80  }
0x85: {  	s15 =	smov.u32 s13;
	s16 =	rddreg [dreg:$0x8];
	[sflag:s1] =	ssyncset.done $0x0  }
0x86: {  	[sflag:s1] =	ssyncadd.s32 $0xFFFFFF80;
	s16 =	sadd.s32 s15, s16  }
0x87: {  	[tilespmem:s20], [sflag:$0x2] =	stream.linear.gather [hbm4b:s16+s4], $0x80, $0x38;
	[tilespmem:$0x680] =	vst v63  }
0x88: {  	_ =	swait.ge [sflag:s5], $0x80  }
0x89: {  	s16 =	rddreg [dreg:$0x7];
	[sflag:s5] =	ssyncset.done $0x0  }
0x8a: {  	[sflag:s5] =	ssyncadd.s32 $0xFFFFFF80;
	s16 =	sadd.s32 s15, s16  }
0x8b: {  	[tilespmem:s21], [sflag:$0x3] =	stream.linear.gather [hbm4b:s16+s4], $0x80, $0x38;
	[tilespmem:$0x680] =	vst v63  }
0x8c: {  	_ =	swait.ge [sflag:s6], $0x80  }
0x8d: {  	s16 =	rddreg [dreg:$0x6];
	[sflag:s6] =	ssyncset.done $0x0  }
0x8e: {  	[sflag:s6] =	ssyncadd.s32 $0xFFFFFF80;
	s16 =	sadd.s32 s15, s16  }
0x8f: {  	[tilespmem:s22], [sflag:$0x4] =	stream.linear.gather [hbm4b:s16+s4], $0x80, $0x38;
	[tilespmem:$0x680] =	vst v63  }
0x90: {  	_ =	swait.ge [sflag:s7], $0x80  }
0x91: {  	p1 =	sne.s32 s13, $0x420;
	s16 =	rddreg [dreg:$0x5];
	[sflag:s7] =	ssyncset.done $0x0  }
.Ltmp0:
0x92: {  	[sflag:s7] =	ssyncadd.s32 $0xFFFFFF80;
	s16 =	sadd.s32 s15, s16;
	(pc) =	sbr.rel @p1 .LBB2_2-.Ltmp0, $4  }
0x93: {  	[tilespmem:s23], [sflag:$0x5] =	stream.linear.gather [hbm4b:s16+s4], $0x80, $0x38;
	[tilespmem:$0x680] =	vst v63  }
0x94: {  	_ =	swait.ge [sflag:s9], $0x80  }
0x95: {  	s13 =	sadd.s32 $0x60, s13;
	[sflag:s9] =	ssyncset.done $0x0;
	s16 =	rddreg [dreg:$0x4]  }
0x96: {  	s14 =	sadd.s32 $0x300, s14;
	[sflag:s9] =	ssyncadd.s32 $0xFFFFFF80;
	s15 =	sadd.s32 s15, s16  }
0x97: {  	[tilespmem:s24], [sflag:$0x6] =	stream.linear.gather [hbm4b:s15+s4], $0x80, $0x38;
	[tilespmem:$0x680] =	vst v63  }
0x98: {  	_ =	swait.ge [sflag:s25], $0x80  }
0x99: {  	[sflag:s25] =	ssyncset.done $0x0  }
0x9a: {  	[sflag:s25] =	ssyncadd.s32 $0xFFFFFF80  }
0x9b: {  	[spmem:s3] =	stream.indirect.scatter.add.f32 [tilespmem:s4], [sflag:$0x7], $0x1, s19, s19, $0xb8;
	[tilespmem:$0x680] =	vst v63  }
0x9c: {  	_ =	swait.ge [sflag:s26], $0x80  }
0x9d: {  	[sflag:s26] =	ssyncset.done $0x0  }
0x9e: {  	[sflag:s26] =	ssyncadd.s32 $0xFFFFFF80  }
0x9f: {  	[spmem:s3] =	stream.indirect.scatter.add.f32 [tilespmem:s4], [sflag:$0x8], $0x1, s20, s19, $0xb8;
	[tilespmem:$0x680] =	vst v63  }
0xa0: {  	_ =	swait.ge [sflag:s28], $0x80  }
0xa1: {  	[sflag:s28] =	ssyncset.done $0x0  }
0xa2: {  	[sflag:s28] =	ssyncadd.s32 $0xFFFFFF80  }
0xa3: {  	[spmem:s3] =	stream.indirect.scatter.add.f32 [tilespmem:s4], [sflag:$0x9], $0x1, s21, s19, $0xb8;
	[tilespmem:$0x680] =	vst v63  }
0xa4: {  	_ =	swait.ge [sflag:s29], $0x80  }
0xa5: {  	[sflag:s29] =	ssyncset.done $0x0  }
0xa6: {  	[sflag:s29] =	ssyncadd.s32 $0xFFFFFF80  }
0xa7: {  	[spmem:s3] =	stream.indirect.scatter.add.f32 [tilespmem:s4], [sflag:$0xA], $0x1, s22, s19, $0xb8;
	[tilespmem:$0x680] =	vst v63  }
0xa8: {  	_ =	swait.ge [sflag:s30], $0x80  }
0xa9: {  	[sflag:s30] =	ssyncset.done $0x0  }
0xaa: {  	[sflag:s30] =	ssyncadd.s32 $0xFFFFFF80  }
0xab: {  	[spmem:s3] =	stream.indirect.scatter.add.f32 [tilespmem:s4], [sflag:$0xB], $0x1, s23, s19, $0xb8;
	[tilespmem:$0x680] =	vst v63  }
0xac: {  	_ =	swait.ge [sflag:s31], $0x80  }
0xad: {  	[sflag:s31] =	ssyncset.done $0x0  }
0xae: {  	[sflag:s31] =	ssyncadd.s32 $0xFFFFFF80  }
0xaf: {  	[spmem:s3] =	stream.indirect.scatter.add.f32 [tilespmem:s4], [sflag:$0xC], $0x1, s24, s19, $0xb8;
	[tilespmem:$0x680] =	vst v63  }
0xb0: {  	_ =	swait.ge [sflag:s0], $0x80  }
0xb1: {  	[sflag:s0] =	ssyncset.done $0x0  }
0xb2: {  	[sflag:s0] =	ssyncadd.s32 $0xFFFFFF80  }
0xb3: {  	_ =	swait.ge [sflag:s1], $0x80  }
0xb4: {  	[sflag:s1] =	ssyncset.done $0x0  }
0xb5: {  	[sflag:s1] =	ssyncadd.s32 $0xFFFFFF80  }
0xb6: {  	_ =	swait.ge [sflag:s5], $0x80  }
0xb7: {  	[sflag:s5] =	ssyncset.done $0x0  }
0xb8: {  	[sflag:s5] =	ssyncadd.s32 $0xFFFFFF80  }
0xb9: {  	_ =	swait.ge [sflag:s6], $0x80  }
0xba: {  	[sflag:s6] =	ssyncset.done $0x0  }
0xbb: {  	[sflag:s6] =	ssyncadd.s32 $0xFFFFFF80  }
0xbc: {  	_ =	swait.ge [sflag:s7], $0x80  }
0xbd: {  	[sflag:s7] =	ssyncset.done $0x0  }
0xbe: {  	[sflag:s7] =	ssyncadd.s32 $0xFFFFFF80  }
0xbf: {  	_ =	swait.ge [sflag:s9], $0x80  }
0xc0: {  	s13 =	simm.s32 @!p0 $0x0;
	[sflag:s9] =	ssyncset.done $0x0  }
0xc1: {  	s14 =	simm.s32 @!p0 $0x380;
	s15 =	rddreg [dreg:$0x11];
	[sflag:s9] =	ssyncadd.s32 $0xFFFFFF80  }
0xc2: {  	[tilespmem:s14], [sflag:$0xE] =	stream.linear.gather @!p0 [hbm4b:s15+s13], $0x80, $0x38;
	[tilespmem:$0x680] =	vst v63  }
0xc3: {  	s15 =	simm.s32 @!p0 $0xE  }
0xc4: {  	_ =	swait.ge @!p0 [sflag:s15], $0x80  }
0xc5: {  	[sflag:s15] =	ssyncset.done @!p0 $0x0  }
0xc6: {  	[sflag:s15] =	ssyncadd.s32 @!p0 $0xFFFFFF80;
	s15 =	simm.s32 @!p0 $0x80  }
0xc7: {  	[spmem:s3] =	stream.indirect.scatter.add.f32 @!p0 [tilespmem:s13], [sflag:$0xD], $0x1, s14, s15, $0xb8;
	[tilespmem:$0x680] =	vst v63  }
0xc8: {  	s13 =	simm.s32 @!p0 $0xD  }
0xc9: {  	_ =	swait.ge @!p0 [sflag:s13], $0x80  }
0xca: {  	[sflag:s13] =	ssyncset.done @!p0 $0x0  }
0xcb: {  	[sflag:s13] =	ssyncadd.s32 @!p0 $0xFFFFFF80  }
0xcc: {  	[bflag:$0x0] =	sbarrier.arrive $0xFFFF  }
0xcd: {  	s15 =	rddreg [dreg:$0x12]  }
0xce: {  	[hbm:s15], [sflag:s11] =	dma.local [spmem:s12], $0x50  }
0xcf: {  	_ =	swait.ge [sflag:s18], $0x50  }
0xd0: {  	s10 =	sadd.s32 $0x1, s10;
	s16 =	rddreg [dreg:$0x13]  }
0xd1: {  	p1 =	sne.s32 s10, s16  }
.Ltmp1:
0xd2: {  	_ = 	snop;
	(pc) =	sbr.rel @p1 .LBB2_1-.Ltmp1, $3  }
0xd3: {  	_ =	sdelay $0x1  }
0xd4: {  	[sflag:s18] =	ssyncset.done $0x0  }
0xd5: {  	[sflag:s18] =	ssyncadd.s32 $0xFFFFFFB0  }
0xd6: {  	_ =	sfence.sel $0x180000  }
0xd7: {  	[bflag:$0x0] =	sbarrier.arrive $0xFFFF  }
0xd8: {  	_ =	strace $0x90000047  }
0xd9: {  	s0 =	stileid.u32;
	[bflag:$0x2] =	sbarrier.arrive $0xFFFF  }
0xda: {  	p0 =	sne.s32 s0, $0x0;
	s0 =	rddreg [dreg:$0x3]  }
0xdb: {  	s0 =	sadd.s32 @!p0 $0x100000, s0  }
0xdc: {  	[sflag:s0] =	ssyncadd.tile.s32 @!p0 $0x1;
	_ =	shalt  }
.Lfunc_end2:
_tile_overlayer_lowered:
.L_overlay_start_2:
0xdd: {  	(tag) =	ssettag $0x2  }
0xde: {  	s0 =	rddreg [dreg:$0x0];
	s2 =	stileid.u32  }
0xdf: {  	s1 =	rddreg [dreg:$0x1];
	p0 =	sne.s32 s2, $0x0  }
0xe0: {  	s3 =	rddreg [dreg:$0x2];
	[bflag:$0x3] =	sbarrier.arrive $0xFFFF;
	s2 =	simm.s32 @!p0 $0x1C0E  }
0xe1: {  	[timem:s3], [sflag:s2] =	dma.local @!p0 [hbm:s0], s1  }
0xe2: {  	s0 =	simm.s32 @!p0 $0xE  }
0xe3: {  	_ =	swait.ge @!p0 [sflag:s0], s1  }
0xe4: {  	s1 =	ssub.s32 @!p0 $0x0, s1;
	[sflag:s0] =	ssyncset.done @!p0 $0x0  }
0xe5: {  	[sflag:s0] =	ssyncadd.s32 @!p0 s1  }
0xe6: {  	[bflag:$0x3] =	sbarrier.arrive $0xFFFF  }
0xe7: {  	_ =	shalt  }

// kernel: kernel.9.cloned.1.call-start
scs
__scs_entry_jumppad:
0x0: {  	(pc) =	sbr.rel $0x88, $3  }
0x1: {  	(tag) =	ssettag $0x0;
	lr =	simm.s32 $0x1  }
0x2: {  	[smem:$0x3F9D] =	sst lr;
	_ =	strace $0xD0000000  }
0x3: {  	_ = 	snop  }
0x4: {  	_ = 	snop  }
0x5: {  	_ = 	snop  }
0x6: {  	_ = 	snop  }
0x7: {  	_ = 	snop  }
__scs_overlays_trampoline_lowered:
0x8: {  	[smem:$0x3FAC] =	sst s0  }
0x9: {  	[smem:$0x3FAD] =	sst s1  }
0xa: {  	[smem:$0x3FAE] =	sst s2  }
0xb: {  	[smem:$0x3FAF] =	sst s3  }
0xc: {  	[smem:$0x3FB0] =	sst s4  }
0xd: {  	[smem:$0x3FB1] =	sst s5  }
0xe: {  	[smem:$0x3FB2] =	sst s6  }
0xf: {  	[smem:$0x3FB3] =	sst s7  }
0x10: {  	[smem:$0x3FB4] =	sst s8  }
0x11: {  	[smem:$0x3FB5] =	sst s9;
	s0 =	simm.s32 @!p0 $0x0  }
0x12: {  	s1 =	sld [smem:$0x3F9B];
	s0 =	simm.s32 @p0 $0x1  }
0x13: {  	[smem:$0x3FB6] =	sst s0;
	s0 =	simm.s32 @!p1 $0x0  }
0x14: {  	s2 =	sld [smem:$0x3F9A];
	s0 =	simm.s32 @p1 $0x1  }
0x15: {  	[smem:$0x3FB7] =	sst s0;
	s0 =	simm.s32 @!p2 $0x0  }
0x16: {  	s3 =	sld [smem:$0x3FDB];
	s0 =	simm.s32 @p2 $0x1  }
0x17: {  	s4 =	simm.s32 $0x1BF5;
	[smem:$0x3FB9] =	sst s0  }
0x18: {  	s0 =	sld [smem:$0x3F9C];
	_ =	swait.ge [sflag:s4], $0x0  }
0x19: {  	s7 =	sld [smem:$0x3F9D]  }
0x1a: {  	s8 =	sadd.s32 $0xFFFFE003, lr  }
0x1b: {  	s9 =	sadd.s32 $0xFFFFFEF7, lr;
	s5 =	simm.s32 $0xFFFFFFFF;
	p2 =	slt.u32 s8, $0xFFFFF086  }
0x1c: {  	p1 =	slt.u32 s9, $0xF7A;
	s5 =	simm.s32 @!p2 $0x0  }
0x1d: {  	s5 =	simm.s32 @p1 $0x1;
	p0 =	seq.s32 s7, s2  }
0x1e: {  	s7 =	smul.u32 @!p0 $0xF7A, s2;
	p2 =	seq.s32 @!p0 s5, $0x0  }
0x1f: {  	s9 =	smul.u32 $0xF7A, s1;
	s8 =	simm.s32 @!p0 $0x1BF5;
	p2 =	por !p2, p0  }
0x20: {  	[sflag:s8] =	ssyncset.s32 @!p0 $0xFFFFF086;
	s6 =	sadd.s32 @!p0 s3, s7;
	s7 =	simm.s32 @!p0 $0x108  }
0x21: {  	s3 =	sadd.s32 s3, s9;
	s6 =	sadd.s32 @!p0 $0x88, s6;
	s7 =	simm.s32 @p2 $0x1082  }
0x22: {  	[simem:s7], [sflag:s8] =	dma.local @!p0 [hbm:s6], $0xF7A  }
0x23: {  	s9 =	sor.u32 $0xD0000000, s2;
	s6 =	simm.s32 $0x108;
	_ =	swait.ge @!p0 [sflag:s8], $0x0  }
0x24: {  	s3 =	sadd.s32 $0x88, s3;
	s6 =	simm.s32 @!p1 $0x1082;
	[sflag:s4] =	ssyncset.s32 $0xFFFFF086  }
0x25: {  	[simem:s6], [sflag:s4] =	dma.local [hbm:s3], $0xF7A  }
0x26: {  	[smem:$0x3F9D] =	sst s1;
	(tag) =	ssettag s2;
	_ =	strace s9  }
0x27: {  	s1 =	sld [smem:$0x3FAD]  }
0x28: {  	s2 =	sld [smem:$0x3FAE]  }
0x29: {  	s4 =	sld [smem:$0x3FB0]  }
0x2a: {  	p0 =	seq.s32 s5, $0x0;
	s5 =	sld [smem:$0x3FB1]  }
0x2b: {  	s6 =	sld [smem:$0x3FB2]  }
0x2c: {  	s7 =	sld [smem:$0x3FB3]  }
0x2d: {  	s3 =	simm.s32 $0x108;
	s8 =	sld [smem:$0x3FB4]  }
0x2e: {  	s3 =	simm.s32 @!p0 $0x1082;
	s9 =	sld [smem:$0x3FB5]  }
0x2f: {  	lr =	sadd.s32 s0, s3;
	s0 =	sld [smem:$0x3FAC]  }
0x30: {  	s3 =	sld [smem:$0x3FAF]  }
0x31: {  	[smem:$0x3FB8] =	sst s10  }
0x32: {  	s10 =	sld [smem:$0x3FB6];
	_ =	sdelay $0x3  }
0x33: {  	p0 =	seq.s32 s10, $0x1;
	s10 =	sld [smem:$0x3FB8];
	_ =	sdelay $0x3  }
0x34: {  	[smem:$0x3FB8] =	sst s10  }
0x35: {  	s10 =	sld [smem:$0x3FB7];
	_ =	sdelay $0x3  }
0x36: {  	p1 =	seq.s32 s10, $0x1;
	s10 =	sld [smem:$0x3FB8];
	_ =	sdelay $0x3  }
0x37: {  	[smem:$0x3FB8] =	sst s10  }
0x38: {  	s10 =	sld [smem:$0x3FB9]  }
0x39: {  	_ = 	snop;
	(pc) =	sbr.ind lr, $3  }
0x3a: {  	_ = 	snop  }
0x3b: {  	_ = 	snop  }
0x3c: {  	p2 =	seq.s32 s10, $0x1;
	s10 =	sld [smem:$0x3FB8]  }
0x3d: {  	_ =	shalt  }
0x3e: {  	_ =	shalt  }
0x3f: {  	_ =	shalt  }
0x40: {  	_ =	shalt  }
0x41: {  	_ =	shalt  }
0x42: {  	_ =	shalt  }
0x43: {  	_ =	shalt  }
0x44: {  	_ =	shalt  }
0x45: {  	_ =	shalt  }
0x46: {  	_ =	shalt  }
0x47: {  	_ =	shalt  }
0x48: {  	_ =	shalt  }
0x49: {  	_ =	shalt  }
0x4a: {  	_ =	shalt  }
0x4b: {  	_ =	shalt  }
0x4c: {  	_ =	shalt  }
0x4d: {  	_ =	shalt  }
0x4e: {  	_ =	shalt  }
0x4f: {  	_ =	shalt  }
0x50: {  	_ =	shalt  }
0x51: {  	_ =	shalt  }
0x52: {  	_ =	shalt  }
0x53: {  	_ =	shalt  }
0x54: {  	_ =	shalt  }
0x55: {  	_ =	shalt  }
0x56: {  	_ =	shalt  }
0x57: {  	_ =	shalt  }
0x58: {  	_ =	shalt  }
0x59: {  	_ =	shalt  }
0x5a: {  	_ =	shalt  }
0x5b: {  	_ =	shalt  }
0x5c: {  	_ =	shalt  }
0x5d: {  	_ =	shalt  }
0x5e: {  	_ =	shalt  }
0x5f: {  	_ =	shalt  }
0x60: {  	_ =	shalt  }
0x61: {  	_ =	shalt  }
0x62: {  	_ =	shalt  }
0x63: {  	_ =	shalt  }
0x64: {  	_ =	shalt  }
0x65: {  	_ =	shalt  }
0x66: {  	_ =	shalt  }
0x67: {  	_ =	shalt  }
0x68: {  	_ =	shalt  }
0x69: {  	_ =	shalt  }
0x6a: {  	_ =	shalt  }
0x6b: {  	_ =	shalt  }
0x6c: {  	_ =	shalt  }
0x6d: {  	_ =	shalt  }
0x6e: {  	_ =	shalt  }
0x6f: {  	_ =	shalt  }
0x70: {  	_ =	shalt  }
0x71: {  	_ =	shalt  }
0x72: {  	_ =	shalt  }
0x73: {  	_ =	shalt  }
0x74: {  	_ =	shalt  }
0x75: {  	_ =	shalt  }
0x76: {  	_ =	shalt  }
0x77: {  	_ =	shalt  }
0x78: {  	_ =	shalt  }
0x79: {  	_ =	shalt  }
0x7a: {  	_ =	shalt  }
0x7b: {  	_ =	shalt  }
0x7c: {  	_ =	shalt  }
0x7d: {  	_ =	shalt  }
0x7e: {  	_ =	shalt  }
0x7f: {  	_ =	shalt  }
0x80: {  	_ =	shalt  }
0x81: {  	_ =	shalt  }
0x82: {  	_ =	shalt  }
0x83: {  	_ =	shalt  }
0x84: {  	_ =	shalt  }
0x85: {  	_ =	shalt  }
0x86: {  	_ =	shalt  }
0x87: {  	_ =	shalt  }
.Lfunc_end0:
.L_simem_size_0:
called_computation.1_lowered:
.L_overlay_start_0:
0x88: {  	s2 =	sld [smem:$0x3FD9]  }
0x89: {  	s3 =	sld [smem:$0x3FFE];
	_ =	sdelay $0x1  }
0x8a: {  	s1 =	srdreg.scid  }
0x8b: {  	s0 =	sand.u32 $0x1, s1  }
0x8c: {  	s17 =	sshll.u32 s0, $0xA;
	s2 =	sadd.s32 s3, s2  }
0x8d: {  	s2 =	sadd.s32 s2, s17  }
0x8e: {  	[smem:$0x3FC4] =	sst s2  }
0x8f: {  	_ = 	snop  }
0x90: {  	s2 =	sld [smem:$0x3FD0];
	(tm) =	ssettm $0x1  }
0x91: {  	s18 =	sld [smem:$0x3FFB];
	_ =	sdelay $0x3  }
0x92: {  	_ =	strace s18  }
0x93: {  	s3 =	sld [smem:$0x3FFC];
	_ =	sdelay $0x3  }
0x94: {  	_ =	strace s3  }
0x95: {  	s3 =	sld [smem:$0x3FFD];
	_ =	sdelay $0x3  }
0x96: {  	_ =	strace s3  }
0x97: {  	_ =	strace $0x8FFFFFFF  }
0x98: {  	s19 =	sld [smem:$0x3FDB];
	_ =	sdelay $0x1  }
0x99: {  	s4 =	simm.s32 $_scs_section_size  }
0x9a: {  	s5 =	simm.s32 $_size__tile_overlayer_lowered;
	s6 =	simm.s32 $_tile_overlayer_lowered  }
0x9b: {  	s22 =	simm.s32 $0x1BFF;
	s21 =	sshll.u32 s6, $0x1;
	s3 =	sadd.s32 s4, s19  }
0x9c: {  	s7 =	simm.s32 $0x0;
	s20 =	sshll.u32 s5, $0x1;
	s5 =	sadd.s32 s21, s3  }
0x9d: {  	[timem:s7], [sflag:s22] =	dma.local [hbm:s5], s20  }
0x9e: {  	_ =	swait.ge [sflag:s22], s20  }
0x9f: {  	s4 =	ssub.s32 $0x0, s20;
	[sflag:s22] =	ssyncset.done $0x0  }
0xa0: {  	[sflag:s22] =	ssyncadd.s32 s4;
	_ =	sdelay $0x1  }
0xa1: {  	s23 =	simm.s32 $0x1B8B  }
0xa2: {  	_ =	swait.ge [sflag:s23], $0x1  }
0xa3: {  	[sflag:s23] =	ssyncset.done $0x0  }
0xa4: {  	s25 =	simm.s32 $0x1B8E;
	s24 =	sld [smem:$0x3FFE];
	[sflag:s23] =	ssyncadd.s32 $0xFFFFFFFF  }
0xa5: {  	s26 =	simm.s32 $execute0_lowered;
	[smem:$0x3FD2] =	sst s25  }
0xa6: {  	s5 =	sshll.u32 s26, $0x1;
	_ =	strace $0x80000049;
	[dreg:$0x1] =	wrdreg $0xFFFFFFFF  }
0xa7: {  	s28 =	simm.s32 $_size_execute0_lowered;
	s3 =	sadd.s32 s3, s5;
	[dreg:$0x0] =	wrdreg $0x0  }
0xa8: {  	s5 =	sshll.u32 s28, $0x1;
	[dreg:$0x2] =	wrdreg s3  }
0xa9: {  	[dreg:$0x3] =	wrdreg s5  }
0xaa: {  	[dreg:$0x4] =	wrdreg $0xC0  }
0xab: {  	_ =	task [dreg:s7], $0x5FFFF  }
0xac: {  	[dreg:$0x1] =	wrdreg $0xFFFFFFFF  }
0xad: {  	[dreg:$0x0] =	wrdreg $0x60  }
0xae: {  	[dreg:$0x2] =	wrdreg s24  }
0xaf: {  	[dreg:$0x3] =	wrdreg s2  }
0xb0: {  	[dreg:$0x4] =	wrdreg $0xA1000  }
0xb1: {  	[dreg:$0x5] =	wrdreg $0x9  }
0xb2: {  	_ =	task.clear_ibuf [dreg:s7], $0x6FFFF;
	_ =	strace $0x90000049  }
0xb3: {  	s29 =	simm.s32 $0x9;
	_ =	strace $0x8000004B  }
0xb4: {  	_ =	swait.ge [sflag:s29], $0x1  }
0xb5: {  	[sflag:s29] =	ssyncadd.s32 $0xFFFFFFFF  }
0xb6: {  	_ =	strace $0x9000004B  }
0xb7: {  	_ =	sfence  }
0xb8: {  	s30 =	sld [smem:$0x0];
	_ =	sdelay $0x2  }
0xb9: {  	s31 =	sshll.u32 s1, $0xD;
	s1 =	sshrl.u32 s1, $0x2  }
0xba: {  	s3 =	sand.u32 $0x4000, s31;
	s1 =	sadd.s32 s1, s30  }
0xbb: {  	s0 =	sor.u32 s3, s0;
	s1 =	sshll.u32 s1, $0x11  }
0xbc: {  	s0 =	sor.u32 s1, s0  }
0xbd: {  	s0 =	sadd.s32 $0x8F2B, s0  }
0xbe: {  	[sflag:s0] =	ssyncadd.remote.s32 $0x1  }
0xbf: {  	_ =	sfence.sel $0xFFFF  }
0xc0: {  	[dreg:$0x0] =	wrdreg $0xFFFFFFFF;
	(pc) =	sbr.abs _section_cstart, $3  }
0xc1: {  	[dreg:$0x1] =	wrdreg $0xFFFFFFFF  }
0xc2: {  	_ =	task.clear_ibuf [dreg:s7], $0x2FFFF;
	_ =	strace $0x9FFFFFFF  }
0xc3: {  	(tm) =	ssettm $0x7FFFFFFF  }
tec
execute0_lowered:
.L_overlay_start_1:
0x0: {  	(tag) =	ssettag $0x1  }
0x1: {  	s0 =	rddreg [dreg:$0x0];
	s1 =	srdreg.scid  }
0x2: {  	s2 =	rddreg [dreg:$0x1];
	s12 =	stileid.u32  }
0x3: {  	s3 =	rddreg [dreg:$0x2];
	s4 =	simm.s32 $0x0;
	s6 =	smul.u32 $0x2710, s12  }
0x4: {  	s29 =	simm.s32 $0x7900;
	s30 =	simm.s32 $0x4;
	s7 =	smul.u32 $0x14000, s12  }
0x5: {  	s31 =	simm.s32 $0x1;
	s1 =	sand.u32 $0x1, s1;
	s15 =	smul.u32 $0x50000, s12  }
0x6: {  	s28 =	simm.s32 $0x6;
	[smem:$0x7FF] =	sst s4;
	s5 =	smul.u32 $0x27100, s1  }
0x7: {  	s18 =	sshll.u32 s12, $0x6;
	s12 =	simm.s32 $0x0;
	s9 =	smul.u32 $0x140000, s1  }
0x8: {  	_ =	strace $0x8000004A;
	s1 =	ssub.s32 $0x2, s1;
	s13 =	sor.u32 $0x1C0A, s18  }
0x9: {  	s11 =	sshrl.u32 s7, $0x3;
	s16 =	sshrl.u32 s1, $0x1;
	s6 =	sadd.s32 s6, s5  }
0xa: {  	s5 =	sadd.s32 $0xB200, s0;
	s7 =	sadd.s32 s7, s9;
	s11 =	sadd.s32 s11, s0  }
0xb: {  	s9 =	sshrl.u32 s15, $0x2;
	s1 =	ssub.s32 s1, s16;
	s8 =	sshrl.u32 s6, $0x3  }
0xc: {  	s7 =	sshrl.u32 s7, $0x3;
	s17 =	sadd.s32 s9, s3;
	s11 =	sadd.s32 $0x33200, s11  }
0xd: {  	s23 =	sadd.s32 $0x190, s6;
	s25 =	sadd.s32 $0x140, s6;
	s1 =	smax.u32 s1, $0x1  }
0xe: {  	s18 =	sadd.s32 $0xF0, s6;
	s6 =	simm.s32 $0x3;
	s9 =	simm.s32 $0x7  }
0xf: {  	s10 =	sadd.s32 s8, s0;
	s0 =	sadd.s32 s7, s0;
	[dreg:$0x4] =	wrdreg s11  }
0x10: {  	s8 =	sadd.s32 s2, s8;
	s24 =	sshrl.u32 s23, $0x3;
	[dreg:$0xc] =	wrdreg s1  }
0x11: {  	s26 =	sshrl.u32 s25, $0x3;
	s19 =	sadd.s32 $0x1400, s10;
	[dreg:$0x5] =	wrdreg s8  }
0x12: {  	s23 =	simm.s32 $0x2900;
	s20 =	sadd.s32 $0xA, s8;
	[dreg:$0x6] =	wrdreg s19  }
0x13: {  	s25 =	simm.s32 $0x5100;
	s21 =	sadd.s32 $0x14, s8;
	[dreg:$0x7] =	wrdreg s20  }
0x14: {  	s1 =	simm.s32 $0x5;
	s22 =	sadd.s32 $0x4CE, s8;
	[dreg:$0x8] =	wrdreg s21  }
0x15: {  	s11 =	simm.s32 $0x9;
	s8 =	sadd.s32 $0x4D8, s8;
	[dreg:$0x9] =	wrdreg s22  }
0x16: {  	s0 =	sadd.s32 $0x5B200, s0;
	s10 =	simm.s32 $0x8;
	[dreg:$0xa] =	wrdreg s8  }
0x17: {  	[dreg:$0xb] =	wrdreg s0;
	s0 =	sadd.s32 s24, s2;
	s19 =	sshrl.u32 s17, $0x3  }
0x18: {  	s20 =	simm.s32 $0xA;
	s21 =	simm.s32 $0x2780;
	s22 =	simm.s32 $0x50  }
0x19: {  	s24 =	simm.s32 $0x2800;
	[dreg:$0xd] =	wrdreg s0;
	s0 =	sadd.s32 s26, s2  }
0x1a: {  	s26 =	simm.s32 $0x2880;
	[dreg:$0xe] =	wrdreg s0;
	s0 =	simm.s32 $0x2  }
.LBB2_1:
0x1b: {  	s7 =	rddreg [dreg:$0x4]  }
0x1c: {  	[spmem:s19], [sflag:s13] =	dma.local [hbm:s7], $0x2800  }
0x1d: {  	_ =	swait.ge [sflag:s20], $0x2800  }
0x1e: {  	[sflag:s20] =	ssyncset.done $0x0  }
0x1f: {  	s17 =	smov.u32 s13;
	s13 =	rddreg [dreg:$0x6];
	[sflag:s20] =	ssyncadd.s32 $0xFFFFD800  }
0x20: {  	[tilespmem:s4], [sflag:$0xA] =	stream.linear.gather [hbm4b:s13+s4], $0x2710, $0x38;
	[tilespmem:$0x1E100] =	vst v63  }
0x21: {  	_ =	swait.ge [sflag:s20], $0x2710  }
0x22: {  	[sflag:s20] =	ssyncset.done $0x0  }
0x23: {  	[sflag:s20] =	ssyncadd.s32 $0xFFFFD8F0  }
0x24: {  	[bflag:$0x0] =	sbarrier.arrive $0xFFFF  }
0x25: {  	s14 =	rddreg [dreg:$0x5]  }
0x26: {  	[tilespmem:s21], [sflag:$0x1] =	stream.linear.gather [hbm4b:s14+s4], $0x50, $0x38;
	[tilespmem:$0x1E100] =	vst v63  }
0x27: {  	_ = 	snop  }
0x28: {  	[tilespmem:s23], [sflag:$0x4] =	stream.indirect.gather [hbm4b:s5+s22], $0x80, s4, s22, $0xb8;
	[tilespmem:$0x1E100] =	vst v63  }
0x29: {  	s15 =	rddreg [dreg:$0x7]  }
0x2a: {  	[tilespmem:s24], [sflag:$0x2] =	stream.linear.gather [hbm4b:s15+s4], $0x50, $0x38;
	[tilespmem:$0x1E100] =	vst v63  }
0x2b: {  	_ = 	snop  }
0x2c: {  	[tilespmem:s25], [sflag:$0x5] =	stream.indirect.gather [hbm4b:s5+s22], $0x80, s22, s22, $0xb8;
	[tilespmem:$0x1E100] =	vst v63  }
0x2d: {  	s16 =	rddreg [dreg:$0x8]  }
0x2e: {  	[tilespmem:s26], [sflag:$0x3] =	stream.linear.gather [hbm4b:s16+s4], $0x50, $0x38;
	[tilespmem:$0x1E100] =	vst v63  }
0x2f: {  	s8 =	simm.s32 $0xA0  }
0x30: {  	[tilespmem:s29], [sflag:$0x6] =	stream.indirect.gather [hbm4b:s5+s22], $0x80, s8, s22, $0xb8;
	[tilespmem:$0x1E100] =	vst v63  }
0x31: {  	_ =	swait.ge [sflag:s30], $0x2800  }
0x32: {  	[sflag:s30] =	ssyncset.done $0x0  }
0x33: {  	[sflag:s30] =	ssyncadd.s32 $0xFFFFD800  }
0x34: {  	_ =	swait.ge [sflag:s31], $0x50  }
0x35: {  	[sflag:s31] =	ssyncset.done $0x0  }
0x36: {  	[sflag:s31] =	ssyncadd.s32 $0xFFFFFFB0  }
0x37: {  	[spmem:s3] =	stream.indirect.scatter.add.f32 [tilespmem:s23], [sflag:$0x7], $0x80, s21, s22, $0xb8;
	[tilespmem:$0x1E100] =	vst v63  }
0x38: {  	_ =	swait.ge [sflag:s1], $0x2800  }
0x39: {  	[sflag:s1] =	ssyncset.done $0x0  }
0x3a: {  	[sflag:s1] =	ssyncadd.s32 $0xFFFFD800  }
0x3b: {  	_ =	swait.ge [sflag:s0], $0x50  }
0x3c: {  	[sflag:s0] =	ssyncset.done $0x0  }
0x3d: {  	[sflag:s0] =	ssyncadd.s32 $0xFFFFFFB0  }
0x3e: {  	[spmem:s3] =	stream.indirect.scatter.add.f32 [tilespmem:s25], [sflag:$0x8], $0x80, s24, s22, $0xb8;
	[tilespmem:$0x1E100] =	vst v63  }
0x3f: {  	_ =	swait.ge [sflag:s28], $0x2800  }
0x40: {  	[sflag:s28] =	ssyncset.done $0x0  }
0x41: {  	[sflag:s28] =	ssyncadd.s32 $0xFFFFD800  }
0x42: {  	_ =	swait.ge [sflag:s6], $0x50  }
0x43: {  	[sflag:s6] =	ssyncset.done $0x0  }
0x44: {  	[sflag:s6] =	ssyncadd.s32 $0xFFFFFFB0  }
0x45: {  	[spmem:s3] =	stream.indirect.scatter.add.f32 [tilespmem:s29], [sflag:$0x9], $0x80, s26, s22, $0xb8;
	[tilespmem:$0x1E100] =	vst v63  }
0x46: {  	_ =	swait.ge [sflag:s9], $0x2800  }
0x47: {  	s13 =	sshrl.u32 s18, $0x3;
	[sflag:s9] =	ssyncset.done $0x0  }
0x48: {  	s7 =	sadd.s32 s2, s13;
	[sflag:s9] =	ssyncadd.s32 $0xFFFFD800  }
0x49: {  	[tilespmem:s21], [sflag:$0x1] =	stream.linear.gather [hbm4b:s7+s4], $0x50, $0x38;
	[tilespmem:$0x1E100] =	vst v63  }
0x4a: {  	s14 =	simm.s32 $0xF0  }
0x4b: {  	[tilespmem:s23], [sflag:$0x4] =	stream.indirect.gather [hbm4b:s5+s22], $0x80, s14, s22, $0xb8;
	[tilespmem:$0x1E100] =	vst v63  }
0x4c: {  	_ =	swait.ge [sflag:s10], $0x2800  }
0x4d: {  	[sflag:s10] =	ssyncset.done $0x0  }
0x4e: {  	s16 =	rddreg [dreg:$0xe];
	[sflag:s10] =	ssyncadd.s32 $0xFFFFD800  }
0x4f: {  	[tilespmem:s24], [sflag:$0x2] =	stream.linear.gather [hbm4b:s16+s4], $0x50, $0x38;
	[tilespmem:$0x1E100] =	vst v63  }
0x50: {  	s15 =	simm.s32 $0x140  }
0x51: {  	[tilespmem:s25], [sflag:$0x5] =	stream.indirect.gather [hbm4b:s5+s22], $0x80, s15, s22, $0xb8;
	[tilespmem:$0x1E100] =	vst v63  }
0x52: {  	_ =	swait.ge [sflag:s11], $0x2800  }
0x53: {  	s13 =	simm.s32 $0x3C0;
	[sflag:s11] =	ssyncset.done $0x0  }
0x54: {  	s7 =	simm.s32 $0x190;
	s8 =	rddreg [dreg:$0xd];
	[sflag:s11] =	ssyncadd.s32 $0xFFFFD800  }
0x55: {  	[tilespmem:s26], [sflag:$0x3] =	stream.linear.gather [hbm4b:s8+s4], $0x50, $0x38;
	[tilespmem:$0x1E100] =	vst v63  }
0x56: {  	s14 =	sadd.s32 $0xF0, s18;
	s15 =	sadd.s32 $0x1E, s8;
	s8 =	sadd.s32 $0x1E, s16  }
.LBB2_2:
0x57: {  	[tilespmem:s29], [sflag:$0x6] =	stream.indirect.gather [hbm4b:s5+s22], $0x80, s7, s22, $0xb8;
	[tilespmem:$0x1E100] =	vst v63  }
0x58: {  	s7 =	smov.u32 s13  }
0x59: {  	p0 =	sne.s32 s13, $0x9240;
	s13 =	sadd.s32 $0x3C0, s13;
	_ =	swait.ge [sflag:s30], $0x2800  }
0x5a: {  	[sflag:s30] =	ssyncset.done $0x0  }
0x5b: {  	[sflag:s30] =	ssyncadd.s32 $0xFFFFD800  }
0x5c: {  	_ =	swait.ge [sflag:s31], $0x50  }
0x5d: {  	[sflag:s31] =	ssyncset.done $0x0  }
0x5e: {  	[sflag:s31] =	ssyncadd.s32 $0xFFFFFFB0  }
0x5f: {  	[spmem:s3] =	stream.indirect.scatter.add.f32 [tilespmem:s23], [sflag:$0x7], $0x80, s21, s22, $0xb8;
	[tilespmem:$0x1E100] =	vst v63  }
0x60: {  	_ =	swait.ge [sflag:s1], $0x2800  }
0x61: {  	[sflag:s1] =	ssyncset.done $0x0  }
0x62: {  	[sflag:s1] =	ssyncadd.s32 $0xFFFFD800  }
0x63: {  	_ =	swait.ge [sflag:s0], $0x50  }
0x64: {  	[sflag:s0] =	ssyncset.done $0x0  }
0x65: {  	[sflag:s0] =	ssyncadd.s32 $0xFFFFFFB0  }
0x66: {  	[spmem:s3] =	stream.indirect.scatter.add.f32 [tilespmem:s25], [sflag:$0x8], $0x80, s24, s22, $0xb8;
	[tilespmem:$0x1E100] =	vst v63  }
0x67: {  	_ =	swait.ge [sflag:s28], $0x2800  }
0x68: {  	[sflag:s28] =	ssyncset.done $0x0  }
0x69: {  	[sflag:s28] =	ssyncadd.s32 $0xFFFFD800  }
0x6a: {  	_ =	swait.ge [sflag:s6], $0x50  }
0x6b: {  	[sflag:s6] =	ssyncset.done $0x0  }
0x6c: {  	[sflag:s6] =	ssyncadd.s32 $0xFFFFFFB0  }
0x6d: {  	[spmem:s3] =	stream.indirect.scatter.add.f32 [tilespmem:s29], [sflag:$0x9], $0x80, s26, s22, $0xb8;
	[tilespmem:$0x1E100] =	vst v63  }
0x6e: {  	_ =	swait.ge [sflag:s9], $0x2800  }
0x6f: {  	s16 =	sshrl.u32 s14, $0x3;
	[sflag:s9] =	ssyncset.done $0x0  }
0x70: {  	s16 =	sadd.s32 s2, s16;
	s7 =	sshra.s32 s7, $0x2;
	[sflag:s9] =	ssyncadd.s32 $0xFFFFD800  }
0x71: {  	[tilespmem:s21], [sflag:$0x1] =	stream.linear.gather [hbm4b:s16+s4], $0x50, $0x38;
	[tilespmem:$0x1E100] =	vst v63  }
0x72: {  	s16 =	sadd.s32 $0xF0, s7  }
0x73: {  	[tilespmem:s23], [sflag:$0x4] =	stream.indirect.gather [hbm4b:s5+s22], $0x80, s16, s22, $0xb8;
	[tilespmem:$0x1E100] =	vst v63  }
0x74: {  	_ =	swait.ge [sflag:s10], $0x2800  }
0x75: {  	[sflag:s10] =	ssyncset.done $0x0  }
0x76: {  	[sflag:s10] =	ssyncadd.s32 $0xFFFFD800  }
0x77: {  	[tilespmem:s24], [sflag:$0x2] =	stream.linear.gather [hbm4b:s8+s4], $0x50, $0x38;
	[tilespmem:$0x1E100] =	vst v63  }
0x78: {  	s16 =	sadd.s32 $0x140, s7  }
0x79: {  	[tilespmem:s25], [sflag:$0x5] =	stream.indirect.gather [hbm4b:s5+s22], $0x80, s16, s22, $0xb8;
	[tilespmem:$0x1E100] =	vst v63  }
.Ltmp0:
0x7a: {  	_ =	swait.ge [sflag:s11], $0x2800;
	(pc) =	sbr.rel @p0 .LBB2_2-.Ltmp0, $4  }
0x7b: {  	[sflag:s11] =	ssyncset.done $0x0  }
0x7c: {  	s14 =	sadd.s32 $0xF0, s14;
	[sflag:s11] =	ssyncadd.s32 $0xFFFFD800  }
0x7d: {  	[tilespmem:s26], [sflag:$0x3] =	stream.linear.gather [hbm4b:s15+s4], $0x50, $0x38;
	[tilespmem:$0x1E100] =	vst v63  }
0x7e: {  	s7 =	sadd.s32 $0x190, s7;
	s8 =	sadd.s32 $0x1E, s8;
	s15 =	sadd.s32 $0x1E, s15  }
0x7f: {  	[tilespmem:s29], [sflag:$0x6] =	stream.indirect.gather [hbm4b:s5+s22], $0x80, s7, s22, $0xb8;
	[tilespmem:$0x1E100] =	vst v63  }
0x80: {  	_ =	swait.ge [sflag:s30], $0x2800  }
0x81: {  	[sflag:s30] =	ssyncset.done $0x0  }
0x82: {  	[sflag:s30] =	ssyncadd.s32 $0xFFFFD800  }
0x83: {  	_ =	swait.ge [sflag:s31], $0x50  }
0x84: {  	[sflag:s31] =	ssyncset.done $0x0  }
0x85: {  	[sflag:s31] =	ssyncadd.s32 $0xFFFFFFB0  }
0x86: {  	[spmem:s3] =	stream.indirect.scatter.add.f32 [tilespmem:s23], [sflag:$0x7], $0x80, s21, s22, $0xb8;
	[tilespmem:$0x1E100] =	vst v63  }
0x87: {  	_ =	swait.ge [sflag:s1], $0x2800  }
0x88: {  	[sflag:s1] =	ssyncset.done $0x0  }
0x89: {  	[sflag:s1] =	ssyncadd.s32 $0xFFFFD800  }
0x8a: {  	_ =	swait.ge [sflag:s0], $0x50  }
0x8b: {  	[sflag:s0] =	ssyncset.done $0x0  }
0x8c: {  	[sflag:s0] =	ssyncadd.s32 $0xFFFFFFB0  }
0x8d: {  	[spmem:s3] =	stream.indirect.scatter.add.f32 [tilespmem:s25], [sflag:$0x8], $0x80, s24, s22, $0xb8;
	[tilespmem:$0x1E100] =	vst v63  }
0x8e: {  	_ =	swait.ge [sflag:s28], $0x2800  }
0x8f: {  	[sflag:s28] =	ssyncset.done $0x0  }
0x90: {  	[sflag:s28] =	ssyncadd.s32 $0xFFFFD800  }
0x91: {  	_ =	swait.ge [sflag:s6], $0x50  }
0x92: {  	[sflag:s6] =	ssyncset.done $0x0  }
0x93: {  	[sflag:s6] =	ssyncadd.s32 $0xFFFFFFB0  }
0x94: {  	[spmem:s3] =	stream.indirect.scatter.add.f32 [tilespmem:s29], [sflag:$0x9], $0x80, s26, s22, $0xb8;
	[tilespmem:$0x1E100] =	vst v63  }
0x95: {  	_ =	swait.ge [sflag:s9], $0x2800  }
0x96: {  	[sflag:s9] =	ssyncset.done $0x0  }
0x97: {  	[sflag:s9] =	ssyncadd.s32 $0xFFFFD800  }
0x98: {  	_ =	swait.ge [sflag:s10], $0x2800  }
0x99: {  	[sflag:s10] =	ssyncset.done $0x0  }
0x9a: {  	[sflag:s10] =	ssyncadd.s32 $0xFFFFD800  }
0x9b: {  	_ =	swait.ge [sflag:s11], $0x2800  }
0x9c: {  	[sflag:s11] =	ssyncset.done $0x0  }
0x9d: {  	s8 =	rddreg [dreg:$0x9];
	[sflag:s11] =	ssyncadd.s32 $0xFFFFD800  }
0x9e: {  	[tilespmem:s21], [sflag:$0x1] =	stream.linear.gather [hbm4b:s8+s4], $0x50, $0x38;
	[tilespmem:$0x1E100] =	vst v63  }
0x9f: {  	s13 =	simm.s32 $0x2670  }
0xa0: {  	[tilespmem:s23], [sflag:$0x4] =	stream.indirect.gather [hbm4b:s5+s22], $0x80, s13, s22, $0xb8;
	[tilespmem:$0x1E100] =	vst v63  }
0xa1: {  	_ =	swait.ge [sflag:s30], $0x2800  }
0xa2: {  	[sflag:s30] =	ssyncset.done $0x0  }
0xa3: {  	[sflag:s30] =	ssyncadd.s32 $0xFFFFD800  }
0xa4: {  	_ =	swait.ge [sflag:s31], $0x50  }
0xa5: {  	[sflag:s31] =	ssyncset.done $0x0  }
0xa6: {  	[sflag:s31] =	ssyncadd.s32 $0xFFFFFFB0  }
0xa7: {  	[spmem:s3] =	stream.indirect.scatter.add.f32 [tilespmem:s23], [sflag:$0x7], $0x80, s21, s22, $0xb8;
	[tilespmem:$0x1E100] =	vst v63  }
0xa8: {  	_ =	swait.ge [sflag:s9], $0x2800  }
0xa9: {  	[sflag:s9] =	ssyncset.done $0x0  }
0xaa: {  	s14 =	rddreg [dreg:$0xa];
	[sflag:s9] =	ssyncadd.s32 $0xFFFFD800  }
0xab: {  	[tilespmem:s24], [sflag:$0x2] =	stream.linear.gather [hbm4b:s14+s4], $0x50, $0x38;
	[tilespmem:$0x1E100] =	vst v63  }
0xac: {  	s15 =	simm.s32 $0x26C0  }
0xad: {  	[tilespmem:s25], [sflag:$0x5] =	stream.indirect.gather [hbm4b:s5+s22], $0x80, s15, s22, $0xb8;
	[tilespmem:$0x1E100] =	vst v63  }
0xae: {  	_ =	swait.ge [sflag:s1], $0x2800  }
0xaf: {  	[sflag:s1] =	ssyncset.done $0x0  }
0xb0: {  	[sflag:s1] =	ssyncadd.s32 $0xFFFFD800  }
0xb1: {  	_ =	swait.ge [sflag:s0], $0x50  }
0xb2: {  	[sflag:s0] =	ssyncset.done $0x0  }
0xb3: {  	[sflag:s0] =	ssyncadd.s32 $0xFFFFFFB0  }
0xb4: {  	[spmem:s3] =	stream.indirect.scatter.add.f32 [tilespmem:s25], [sflag:$0x8], $0x80, s24, s22, $0xb8;
	[tilespmem:$0x1E100] =	vst v63  }
0xb5: {  	_ =	swait.ge [sflag:s10], $0x2800  }
0xb6: {  	[sflag:s10] =	ssyncset.done $0x0  }
0xb7: {  	[sflag:s10] =	ssyncadd.s32 $0xFFFFD800  }
0xb8: {  	[bflag:$0x0] =	sbarrier.arrive $0xFFFF  }
0xb9: {  	s16 =	rddreg [dreg:$0xb]  }
0xba: {  	[hbm:s16], [sflag:s17] =	dma.local [spmem:s19], $0x2800  }
0xbb: {  	_ =	swait.ge [sflag:s20], $0x2800  }
0xbc: {  	s12 =	sadd.s32 $0x1, s12;
	s13 =	smov.u32 s17;
	s17 =	rddreg [dreg:$0xc]  }
0xbd: {  	p0 =	sne.s32 s12, s17  }
.Ltmp1:
0xbe: {  	_ = 	snop;
	(pc) =	sbr.rel @p0 .LBB2_1-.Ltmp1, $3  }
0xbf: {  	_ =	sdelay $0x1  }
0xc0: {  	[sflag:s20] =	ssyncset.done $0x0  }
0xc1: {  	[sflag:s20] =	ssyncadd.s32 $0xFFFFD800  }
0xc2: {  	_ =	sfence.sel $0x180000  }
0xc3: {  	[bflag:$0x0] =	sbarrier.arrive $0xFFFF  }
0xc4: {  	_ =	strace $0x9000004A  }
0xc5: {  	s0 =	stileid.u32;
	[bflag:$0x2] =	sbarrier.arrive $0xFFFF  }
0xc6: {  	p0 =	sne.s32 s0, $0x0;
	s0 =	rddreg [dreg:$0x3]  }
0xc7: {  	s0 =	sadd.s32 @!p0 $0x100000, s0  }
0xc8: {  	[sflag:s0] =	ssyncadd.tile.s32 @!p0 $0x1;
	_ =	shalt  }
.Lfunc_end2:
_tile_overlayer_lowered:
.L_overlay_start_2:
0xc9: {  	(tag) =	ssettag $0x2  }
0xca: {  	s0 =	rddreg [dreg:$0x0];
	s2 =	stileid.u32  }
0xcb: {  	s1 =	rddreg [dreg:$0x1];
	p0 =	sne.s32 s2, $0x0  }
0xcc: {  	s3 =	rddreg [dreg:$0x2];
	[bflag:$0x3] =	sbarrier.arrive $0xFFFF;
	s2 =	simm.s32 @!p0 $0x1C0A  }
0xcd: {  	[timem:s3], [sflag:s2] =	dma.local @!p0 [hbm:s0], s1  }
0xce: {  	s0 =	simm.s32 @!p0 $0xA  }
0xcf: {  	_ =	swait.ge @!p0 [sflag:s0], s1  }
0xd0: {  	s1 =	ssub.s32 @!p0 $0x0, s1;
	[sflag:s0] =	ssyncset.done @!p0 $0x0  }
0xd1: {  	[sflag:s0] =	ssyncadd.s32 @!p0 s1  }
0xd2: {  	[bflag:$0x3] =	sbarrier.arrive $0xFFFF  }
0xd3: {  	_ =	shalt  }

</sc_bundles>
